<compile_context>
chip_gen: v7x
topology: tpu7x:2x2x1
jax: 0.10.2.dev20260603
libtpu: 0.0.44.dev20260713+nightly
codegen_flags: <defaults>
</compile_context>

<pallas_src>
import jax
import jax.numpy as jnp
from jax import lax
from jax.experimental import pallas as pl
from jax.experimental.pallas import tpu as pltpu
from jax.experimental.pallas import tpu_sc as plsc

_N = 50000
_E = 1600000
_ND = 250000
_NC, _NS, _L = 2, 16, 16
_NW = _NC * _NS
_ZPAD = 250880
_CH = _ZPAD // _NS
_EA = 533504
_EB = 533504
_EC = _E - _EA - _EB
_NPAD = 51200
_CHN = _NPAD // _NS

_mesh = plsc.VectorSubcoreMesh(core_axis_name="c", subcore_axis_name="s")


def _make_seg_sum(ept, k):
    nb = ept // k
    kt = k + _L

    def _seg_body(pre_hbm, post_hbm, w_hbm, z_hbm, out_hbm,
                  idx_v, post_v, w_v, g_v, zblk, zsp, accsp, sem):
        cid = lax.axis_index("c")
        sid = lax.axis_index("s")
        wid = sid * _NC + cid

        for r in range(2):
            zo = sid * _CH + r * (_CH // 2)
            pltpu.sync_copy(z_hbm.at[pl.ds(zo, _CH // 2)],
                            g_v.at[pl.ds(0, _CH // 2)])
            pltpu.sync_copy(g_v.at[pl.ds(0, _CH // 2)],
                            zsp.at[pl.ds(zo, _CH // 2)])

        def _zero(i, c):
            zblk[pl.ds(pl.multiple_of(i * _L, _L), _L)] = jnp.zeros((_L,), jnp.float32)
            return c
        lax.fori_loop(0, _CHN // _L, _zero, 0)
        pltpu.sync_copy(zblk, accsp.at[pl.ds(sid * _CHN, _CHN)])

        tail = pl.ds(k, _L)
        zeros_i = jnp.zeros((_L,), jnp.int32)
        idx_v[tail] = zeros_i
        post_v[tail] = zeros_i
        w_v[tail] = jnp.zeros((_L,), jnp.float32)
        plsc.subcore_barrier()

        for b in range(nb):
            base = wid * ept + b * k
            pltpu.sync_copy(pre_hbm.at[pl.ds(base, k)], idx_v.at[pl.ds(0, k)])
            pltpu.sync_copy(post_hbm.at[pl.ds(base, k)], post_v.at[pl.ds(0, k)])
            pltpu.sync_copy(w_hbm.at[pl.ds(base, k)], w_v.at[pl.ds(0, k)])

            pltpu.async_copy(zsp.at[idx_v], g_v, sem).wait()

            def _mul(i, c):
                s = pl.ds(pl.multiple_of(i * _L, _L), _L)
                g_v[s] = g_v[s] * w_v[s]
                return c
            lax.fori_loop(0, kt // _L, _mul, 0)

            pltpu.sync_copy(g_v, accsp.at[post_v], add=True)

        plsc.subcore_barrier()
        pltpu.sync_copy(accsp.at[pl.ds(sid * _CHN, _CHN)], zblk)
        pltpu.sync_copy(zblk, out_hbm.at[pl.ds(cid * _NPAD + sid * _CHN, _CHN)])

    gbuf = max(kt, _CH // 2)
    return pl.kernel(
        _seg_body,
        out_type=jax.ShapeDtypeStruct((_NC * _NPAD,), jnp.float32),
        mesh=_mesh,
        compiler_params=pltpu.CompilerParams(use_tc_tiling_on_sc=False,
                                             needs_layout_passes=False),
        scratch_types=[
            pltpu.VMEM((kt,), jnp.int32),
            pltpu.VMEM((kt,), jnp.int32),
            pltpu.VMEM((kt,), jnp.float32),
            pltpu.VMEM((gbuf,), jnp.float32),
            pltpu.VMEM((_CHN,), jnp.float32),
            pltpu.VMEM_SHARED((_ZPAD,), jnp.float32),
            pltpu.VMEM_SHARED((_NPAD,), jnp.float32),
            pltpu.SemaphoreType.DMA,
        ],
    )


_seg_sum_a = _make_seg_sum(_EA // _NW, _EA // _NW)
_seg_sum_b = _make_seg_sum(_EB // _NW, _EB // _NW)
_seg_sum_c = _make_seg_sum(_EC // _NW, _EC // _NW)


def _glif_body(pa_ref, pb_ref, pc_ref, v_ref, ext_ref, decay_ref,
               cf_ref, vth_ref, vreset_ref, el_ref, out_ref):
    rec = ((pa_ref[0:1, :_N] + pa_ref[0:1, _NPAD:_NPAD + _N])
           + (pb_ref[0:1, :_N] + pb_ref[0:1, _NPAD:_NPAD + _N])
           + (pc_ref[0:1, :_N] + pc_ref[0:1, _NPAD:_NPAD + _N]))
    new_v = decay_ref[...] * v_ref[...] + cf_ref[...] * (rec + ext_ref[...])
    v_scaled = (new_v - vth_ref[...]) / (vth_ref[...] - el_ref[...] + 1e-8)
    z = (v_scaled > 0.0).astype(jnp.float32)
    v_out = new_v * (1.0 - z) + vreset_ref[...] * z
    out_ref[0:1, :_N] = z
    out_ref[0:1, _N:] = v_out


def kernel(z_buf, v, ext_current, rec_weights, decay, current_factor,
           v_th, v_reset, e_l, rec_indices):
    zflat = jnp.pad(z_buf.reshape(-1), (0, _ZPAD - _ND))
    pa = _seg_sum_a(rec_indices[:_EA, 1], rec_indices[:_EA, 0],
                    rec_weights[:_EA], zflat)
    pb = _seg_sum_b(rec_indices[_EA:_EA + _EB, 1], rec_indices[_EA:_EA + _EB, 0],
                    rec_weights[_EA:_EA + _EB], zflat)
    pc = _seg_sum_c(rec_indices[_EA + _EB:, 1], rec_indices[_EA + _EB:, 0],
                    rec_weights[_EA + _EB:], zflat)
    return pl.pallas_call(
        _glif_body,
        out_shape=jax.ShapeDtypeStruct((1, 2 * _N), jnp.float32),
    )(pa[None, :], pb[None, :], pc[None, :], v, ext_current, decay[None, :],
      current_factor[None, :], v_th[None, :], v_reset[None, :], e_l[None, :])

# --- scband reference (transcript-rebuilt; emitter-appended) ---
"""Pipeline reference for scband-v1-column-33380485825263 (READ-ONLY COPY).

The authoritative reference and input builder live on the scoring server;
editing this copy changes nothing except your own understanding.
"""

import jax, jax.numpy as jnp
import numpy as np

N = 50000      # neurons
E = 1600000    # recurrent synapses
D = 5          # max_delay
DAMPENING = 0.3

@jax.custom_vjp
def spike_fn(v_scaled):
    return (v_scaled > 0.0).astype(jnp.float32)

def _spike_fwd(v_scaled):
    return spike_fn(v_scaled), v_scaled

def _spike_bwd(v_scaled, g):
    return (g * DAMPENING * jnp.maximum(1.0 - jnp.abs(v_scaled), 0.0),)

spike_fn.defvjp(_spike_fwd, _spike_bwd)

def setup_inputs(seed: int = 0):
    key = jax.random.key(seed)
    ks = jax.random.split(key, 8)
    # delayed spike buffer: sparse binary spikes over N*D slots
    z_buf = (jax.random.uniform(ks[0], (1, N * D)) < 0.02).astype(jnp.float32)
    v = jax.random.uniform(ks[1], (1, N), dtype=jnp.float32) * 0.5
    ext_current = jax.random.normal(ks[2], (1, N), dtype=jnp.float32) * 0.1
    # synapse list: col 0 = postsynaptic neuron, col 1 = presynaptic slot in delayed buffer
    post = jax.random.randint(ks[3], (E,), 0, N, dtype=jnp.int32)
    pre = jax.random.randint(ks[4], (E,), 0, N, dtype=jnp.int32)
    delays = jax.random.randint(ks[5], (E,), 0, D, dtype=jnp.int32)
    rec_indices = jnp.stack([post, pre + N * delays], axis=1)
    rec_weights = jax.random.normal(ks[6], (E,), dtype=jnp.float32) * 0.01
    decay = jnp.full((N,), 0.95, jnp.float32)
    current_factor = jnp.full((N,), 0.1, jnp.float32)
    v_th = jnp.ones((N,), jnp.float32)
    v_reset = jnp.zeros((N,), jnp.float32)
    e_l = jnp.zeros((N,), jnp.float32)
    return {"z_buf": z_buf, "v": v, "ext_current": ext_current,
            "rec_weights": rec_weights, "decay": decay,
            "current_factor": current_factor, "v_th": v_th,
            "v_reset": v_reset, "e_l": e_l, "rec_indices": rec_indices}

def reference(z_buf, v, ext_current, rec_weights, decay, current_factor,
              v_th, v_reset, e_l, rec_indices):
    pre = rec_indices[:, 1]
    post = rec_indices[:, 0]
    # gather presynaptic (delayed) spikes: the embedding-lookup-like hot loop
    gathered = jnp.take(z_buf, pre, axis=1)                # [1, E]
    vals = (gathered * rec_weights[None, :]).T             # [E, 1]
    rec_input = jax.ops.segment_sum(vals, post, num_segments=N).T  # [1, N]
    # GLIF-style voltage update (normalized units)
    new_v = decay[None, :] * v + current_factor[None, :] * (rec_input + ext_current)
    v_scaled = (new_v - v_th[None, :]) / (v_th[None, :] - e_l[None, :] + 1e-8)
    z = spike_fn(v_scaled)
    # hard reset (differentiable form)
    v_out = new_v * (1.0 - z) + v_reset[None, :] * z
    return jnp.concatenate([z, v_out], axis=-1)

if __name__ == "__main__":
    import jax
    _d = setup_inputs()
    print(jax.jit(kernel)(*tuple(_d.values())))

</pallas_src>

<mosaic_0001>
#map = affine_map<(d0, d1) -> (0)>
module attributes {stable_mosaic.version = 14 : i64} {
  func.func @_seg_body(%arg0: i32, %arg1: i32, %arg2: memref<532992xi32, #tpu.memory_space<hbm>>, %arg3: memref<532992xi32, #tpu.memory_space<hbm>>, %arg4: memref<532992xf32, #tpu.memory_space<hbm>>, %arg5: memref<250880xf32, #tpu.memory_space<hbm>>, %arg6: memref<102400xf32, #tpu.memory_space<hbm>>, %arg7: memref<16672xi32, #tpu.memory_space<vmem>>, %arg8: memref<16672xi32, #tpu.memory_space<vmem>>, %arg9: memref<16672xf32, #tpu.memory_space<vmem>>, %arg10: memref<16672xf32, #tpu.memory_space<vmem>>, %arg11: memref<3200xf32, #tpu.memory_space<vmem>>, %arg12: memref<250880xf32, #tpu.memory_space<vmem_shared>>, %arg13: memref<51200xf32, #tpu.memory_space<vmem_shared>>, %arg14: memref<!tpu.dma_semaphore, #tpu.memory_space<semaphore_mem>>) attributes {dimension_semantics = [#tpu.dimension_semantics<core_parallel>, #tpu.dimension_semantics<subcore_parallel>], iteration_bounds = array<i64: 2, 16>, scalar_prefetch = 0 : i64, scratch_operands = 8 : i64, tpu.core_type = #tpu.core_type<sc_vector_subcore>, window_params = [{transform_indices = #map}, {transform_indices = #map}, {transform_indices = #map}, {transform_indices = #map}, {transform_indices = #map}]} {
    %mul3A = arith.constant 2 : i32
    %mul3A_0 = arith.muli %arg1, %mul3A : i32
    %add3A = arith.addi %mul3A_0, %arg0 : i32
    %mul3A_1 = arith.constant 15680 : i32
    %mul3A_2 = arith.muli %arg1, %mul3A_1 : i32
    %add3A_3 = arith.constant 0 : i32
    %add3A_4 = arith.addi %mul3A_2, %add3A_3 : i32
    "tpu.region"() ({
      %run_scoped3A = tpu.sem_alloc : memref<!tpu.dma_semaphore, #tpu.memory_space<semaphore_mem>>
      %dma_start3A_44 = arith.constant 0 : i32
      %dma_start3A_45 = tpu.memref_slice %arg10[%dma_start3A_44] : memref<16672xf32, #tpu.memory_space<vmem>> -> memref<7840xf32, #tpu.memory_space<vmem>>
      %dma_start3A_46 = tpu.memref_slice %arg5[%add3A_4] : memref<250880xf32, #tpu.memory_space<hbm>> -> memref<7840xf32, #tpu.memory_space<hbm>>
      %dma_start3A_47 = arith.constant 0 : i32
      %dma_start3A_48 = tpu.memref_slice %arg10[%dma_start3A_47] : memref<16672xf32, #tpu.memory_space<vmem>> -> memref<7840xf32, #tpu.memory_space<vmem>>
      %dma_start3A_49 = tpu.memref_slice %arg5[%add3A_4] : memref<250880xf32, #tpu.memory_space<hbm>> -> memref<7840xf32, #tpu.memory_space<hbm>>
      tpu.enqueue_dma source(%dma_start3A_49 : memref<7840xf32, #tpu.memory_space<hbm>>) target(%dma_start3A_48 : memref<7840xf32, #tpu.memory_space<vmem>>) target_semaphore(%run_scoped3A : memref<!tpu.dma_semaphore, #tpu.memory_space<semaphore_mem>>)
      %dma_wait3A_50 = arith.constant 0 : i32
      %dma_wait3A_51 = tpu.memref_slice %arg10[%dma_wait3A_50] : memref<16672xf32, #tpu.memory_space<vmem>> -> memref<7840xf32, #tpu.memory_space<vmem>>
      %dma_wait3A_52 = tpu.memref_slice %arg5[%add3A_4] : memref<250880xf32, #tpu.memory_space<hbm>> -> memref<7840xf32, #tpu.memory_space<hbm>>
      %dma_wait3A_53 = arith.constant 0 : i32
      %dma_wait3A_54 = tpu.memref_slice %arg10[%dma_wait3A_53] : memref<16672xf32, #tpu.memory_space<vmem>> -> memref<7840xf32, #tpu.memory_space<vmem>>
      %dma_wait3A_55 = tpu.memref_slice %arg5[%add3A_4] : memref<250880xf32, #tpu.memory_space<hbm>> -> memref<7840xf32, #tpu.memory_space<hbm>>
      tpu.wait_dma2 semaphore(%run_scoped3A : memref<!tpu.dma_semaphore, #tpu.memory_space<semaphore_mem>>) src(%dma_wait3A_55 : memref<7840xf32, #tpu.memory_space<hbm>>) dst(%dma_wait3A_54 : memref<7840xf32, #tpu.memory_space<vmem>>)
      tpu.yield
    }) : () -> ()
    "tpu.region"() ({
      %run_scoped3A = tpu.sem_alloc : memref<!tpu.dma_semaphore, #tpu.memory_space<semaphore_mem>>
      %dma_start3A_44 = arith.constant 0 : i32
      %dma_start3A_45 = tpu.memref_slice %arg10[%dma_start3A_44] : memref<16672xf32, #tpu.memory_space<vmem>> -> memref<7840xf32, #tpu.memory_space<vmem>>
      %dma_start3A_46 = tpu.memref_slice %arg12[%add3A_4] : memref<250880xf32, #tpu.memory_space<vmem_shared>> -> memref<7840xf32, #tpu.memory_space<vmem_shared>>
      %dma_start3A_47 = tpu.memref_slice %arg12[%add3A_4] : memref<250880xf32, #tpu.memory_space<vmem_shared>> -> memref<7840xf32, #tpu.memory_space<vmem_shared>>
      %dma_start3A_48 = arith.constant 0 : i32
      %dma_start3A_49 = tpu.memref_slice %arg10[%dma_start3A_48] : memref<16672xf32, #tpu.memory_space<vmem>> -> memref<7840xf32, #tpu.memory_space<vmem>>
      tpu.enqueue_dma source(%dma_start3A_49 : memref<7840xf32, #tpu.memory_space<vmem>>) target(%dma_start3A_47 : memref<7840xf32, #tpu.memory_space<vmem_shared>>) target_semaphore(%run_scoped3A : memref<!tpu.dma_semaphore, #tpu.memory_space<semaphore_mem>>)
      %dma_wait3A_50 = arith.constant 0 : i32
      %dma_wait3A_51 = tpu.memref_slice %arg10[%dma_wait3A_50] : memref<16672xf32, #tpu.memory_space<vmem>> -> memref<7840xf32, #tpu.memory_space<vmem>>
      %dma_wait3A_52 = tpu.memref_slice %arg12[%add3A_4] : memref<250880xf32, #tpu.memory_space<vmem_shared>> -> memref<7840xf32, #tpu.memory_space<vmem_shared>>
      %dma_wait3A_53 = tpu.memref_slice %arg12[%add3A_4] : memref<250880xf32, #tpu.memory_space<vmem_shared>> -> memref<7840xf32, #tpu.memory_space<vmem_shared>>
      %dma_wait3A_54 = arith.constant 0 : i32
      %dma_wait3A_55 = tpu.memref_slice %arg10[%dma_wait3A_54] : memref<16672xf32, #tpu.memory_space<vmem>> -> memref<7840xf32, #tpu.memory_space<vmem>>
      tpu.wait_dma2 semaphore(%run_scoped3A : memref<!tpu.dma_semaphore, #tpu.memory_space<semaphore_mem>>) src(%dma_wait3A_55 : memref<7840xf32, #tpu.memory_space<vmem>>) dst(%dma_wait3A_53 : memref<7840xf32, #tpu.memory_space<vmem_shared>>)
      tpu.yield
    }) : () -> ()
    %mul3A_5 = arith.constant 15680 : i32
    %mul3A_6 = arith.muli %arg1, %mul3A_5 : i32
    %add3A_7 = arith.constant 7840 : i32
    %add3A_8 = arith.addi %mul3A_6, %add3A_7 : i32
    "tpu.region"() ({
      %run_scoped3A = tpu.sem_alloc : memref<!tpu.dma_semaphore, #tpu.memory_space<semaphore_mem>>
      %dma_start3A_44 = arith.constant 0 : i32
      %dma_start3A_45 = tpu.memref_slice %arg10[%dma_start3A_44] : memref<16672xf32, #tpu.memory_space<vmem>> -> memref<7840xf32, #tpu.memory_space<vmem>>
      %dma_start3A_46 = tpu.memref_slice %arg5[%add3A_8] : memref<250880xf32, #tpu.memory_space<hbm>> -> memref<7840xf32, #tpu.memory_space<hbm>>
      %dma_start3A_47 = arith.constant 0 : i32
      %dma_start3A_48 = tpu.memref_slice %arg10[%dma_start3A_47] : memref<16672xf32, #tpu.memory_space<vmem>> -> memref<7840xf32, #tpu.memory_space<vmem>>
      %dma_start3A_49 = tpu.memref_slice %arg5[%add3A_8] : memref<250880xf32, #tpu.memory_space<hbm>> -> memref<7840xf32, #tpu.memory_space<hbm>>
      tpu.enqueue_dma source(%dma_start3A_49 : memref<7840xf32, #tpu.memory_space<hbm>>) target(%dma_start3A_48 : memref<7840xf32, #tpu.memory_space<vmem>>) target_semaphore(%run_scoped3A : memref<!tpu.dma_semaphore, #tpu.memory_space<semaphore_mem>>)
      %dma_wait3A_50 = arith.constant 0 : i32
      %dma_wait3A_51 = tpu.memref_slice %arg10[%dma_wait3A_50] : memref<16672xf32, #tpu.memory_space<vmem>> -> memref<7840xf32, #tpu.memory_space<vmem>>
      %dma_wait3A_52 = tpu.memref_slice %arg5[%add3A_8] : memref<250880xf32, #tpu.memory_space<hbm>> -> memref<7840xf32, #tpu.memory_space<hbm>>
      %dma_wait3A_53 = arith.constant 0 : i32
      %dma_wait3A_54 = tpu.memref_slice %arg10[%dma_wait3A_53] : memref<16672xf32, #tpu.memory_space<vmem>> -> memref<7840xf32, #tpu.memory_space<vmem>>
      %dma_wait3A_55 = tpu.memref_slice %arg5[%add3A_8] : memref<250880xf32, #tpu.memory_space<hbm>> -> memref<7840xf32, #tpu.memory_space<hbm>>
      tpu.wait_dma2 semaphore(%run_scoped3A : memref<!tpu.dma_semaphore, #tpu.memory_space<semaphore_mem>>) src(%dma_wait3A_55 : memref<7840xf32, #tpu.memory_space<hbm>>) dst(%dma_wait3A_54 : memref<7840xf32, #tpu.memory_space<vmem>>)
      tpu.yield
    }) : () -> ()
    "tpu.region"() ({
      %run_scoped3A = tpu.sem_alloc : memref<!tpu.dma_semaphore, #tpu.memory_space<semaphore_mem>>
      %dma_start3A_44 = arith.constant 0 : i32
      %dma_start3A_45 = tpu.memref_slice %arg10[%dma_start3A_44] : memref<16672xf32, #tpu.memory_space<vmem>> -> memref<7840xf32, #tpu.memory_space<vmem>>
      %dma_start3A_46 = tpu.memref_slice %arg12[%add3A_8] : memref<250880xf32, #tpu.memory_space<vmem_shared>> -> memref<7840xf32, #tpu.memory_space<vmem_shared>>
      %dma_start3A_47 = tpu.memref_slice %arg12[%add3A_8] : memref<250880xf32, #tpu.memory_space<vmem_shared>> -> memref<7840xf32, #tpu.memory_space<vmem_shared>>
      %dma_start3A_48 = arith.constant 0 : i32
      %dma_start3A_49 = tpu.memref_slice %arg10[%dma_start3A_48] : memref<16672xf32, #tpu.memory_space<vmem>> -> memref<7840xf32, #tpu.memory_space<vmem>>
      tpu.enqueue_dma source(%dma_start3A_49 : memref<7840xf32, #tpu.memory_space<vmem>>) target(%dma_start3A_47 : memref<7840xf32, #tpu.memory_space<vmem_shared>>) target_semaphore(%run_scoped3A : memref<!tpu.dma_semaphore, #tpu.memory_space<semaphore_mem>>)
      %dma_wait3A_50 = arith.constant 0 : i32
      %dma_wait3A_51 = tpu.memref_slice %arg10[%dma_wait3A_50] : memref<16672xf32, #tpu.memory_space<vmem>> -> memref<7840xf32, #tpu.memory_space<vmem>>
      %dma_wait3A_52 = tpu.memref_slice %arg12[%add3A_8] : memref<250880xf32, #tpu.memory_space<vmem_shared>> -> memref<7840xf32, #tpu.memory_space<vmem_shared>>
      %dma_wait3A_53 = tpu.memref_slice %arg12[%add3A_8] : memref<250880xf32, #tpu.memory_space<vmem_shared>> -> memref<7840xf32, #tpu.memory_space<vmem_shared>>
      %dma_wait3A_54 = arith.constant 0 : i32
      %dma_wait3A_55 = tpu.memref_slice %arg10[%dma_wait3A_54] : memref<16672xf32, #tpu.memory_space<vmem>> -> memref<7840xf32, #tpu.memory_space<vmem>>
      tpu.wait_dma2 semaphore(%run_scoped3A : memref<!tpu.dma_semaphore, #tpu.memory_space<semaphore_mem>>) src(%dma_wait3A_55 : memref<7840xf32, #tpu.memory_space<vmem>>) dst(%dma_wait3A_53 : memref<7840xf32, #tpu.memory_space<vmem_shared>>)
      tpu.yield
    }) : () -> ()
    %scan3A = arith.constant 0 : i32
    %scan3A_9 = arith.constant 0 : i32
    %scan3A_10 = arith.constant 200 : i32
    %scan3A_11 = arith.addi %scan3A_9, %scan3A_10 : i32
    %scan3A_12 = arith.constant 1 : i32
    scf.for %scan3A_44 = %scan3A_9 to %scan3A_11 step %scan3A_12  : i32 {
      %broadcast_in_dim3A_45 = arith.constant 0.000000e+00 : f32
      %broadcast_in_dim3A_46 = vector.broadcast %broadcast_in_dim3A_45 : f32 to vector<16xf32>
      %mul3A_47 = arith.constant 16 : i32
      %mul3A_48 = arith.muli %scan3A_44, %mul3A_47 : i32
      %multiple_of3A = tpu.assume_multiple %mul3A_48, 16 : i32
      %swap3A_49 = arith.index_cast %multiple_of3A : i32 to index
      %swap3A_50 = tpu.vector_load %arg11[%swap3A_49] {strides = array<i32>} : memref<3200xf32, #tpu.memory_space<vmem>>, vector<16xf32>,
      tpu.vector_store %arg11[%swap3A_49], %broadcast_in_dim3A_46 {strides = array<i32>} : memref<3200xf32, #tpu.memory_space<vmem>>, vector<16xf32>,
    }
    %scan3A_13 = arith.constant 200 : i32
    %mul3A_14 = arith.constant 3200 : i32
    %mul3A_15 = arith.muli %arg1, %mul3A_14 : i32
    "tpu.region"() ({
      %run_scoped3A = tpu.sem_alloc : memref<!tpu.dma_semaphore, #tpu.memory_space<semaphore_mem>>
      %dma_start3A_44 = tpu.memref_slice %arg13[%mul3A_15] : memref<51200xf32, #tpu.memory_space<vmem_shared>> -> memref<3200xf32, #tpu.memory_space<vmem_shared>>
      %dma_start3A_45 = tpu.memref_slice %arg13[%mul3A_15] : memref<51200xf32, #tpu.memory_space<vmem_shared>> -> memref<3200xf32, #tpu.memory_space<vmem_shared>>
      tpu.enqueue_dma source(%arg11 : memref<3200xf32, #tpu.memory_space<vmem>>) target(%dma_start3A_45 : memref<3200xf32, #tpu.memory_space<vmem_shared>>) target_semaphore(%run_scoped3A : memref<!tpu.dma_semaphore, #tpu.memory_space<semaphore_mem>>)
      %dma_wait3A_46 = tpu.memref_slice %arg13[%mul3A_15] : memref<51200xf32, #tpu.memory_space<vmem_shared>> -> memref<3200xf32, #tpu.memory_space<vmem_shared>>
      %dma_wait3A_47 = tpu.memref_slice %arg13[%mul3A_15] : memref<51200xf32, #tpu.memory_space<vmem_shared>> -> memref<3200xf32, #tpu.memory_space<vmem_shared>>
      tpu.wait_dma2 semaphore(%run_scoped3A : memref<!tpu.dma_semaphore, #tpu.memory_space<semaphore_mem>>) src(%arg11 : memref<3200xf32, #tpu.memory_space<vmem>>) dst(%dma_wait3A_47 : memref<3200xf32, #tpu.memory_space<vmem_shared>>)
      tpu.yield
    }) : () -> ()
    %broadcast_in_dim3A = arith.constant 0 : i32
    %broadcast_in_dim3A_16 = vector.broadcast %broadcast_in_dim3A : i32 to vector<16xi32>
    %swap3A = arith.constant 16656 : index
    %swap3A_17 = tpu.vector_load %arg7[%swap3A] {strides = array<i32>} : memref<16672xi32, #tpu.memory_space<vmem>>, vector<16xi32>,
    tpu.vector_store %arg7[%swap3A], %broadcast_in_dim3A_16 {strides = array<i32>} : memref<16672xi32, #tpu.memory_space<vmem>>, vector<16xi32>,
    %swap3A_18 = arith.constant 16656 : index
    %swap3A_19 = tpu.vector_load %arg8[%swap3A_18] {strides = array<i32>} : memref<16672xi32, #tpu.memory_space<vmem>>, vector<16xi32>,
    tpu.vector_store %arg8[%swap3A_18], %broadcast_in_dim3A_16 {strides = array<i32>} : memref<16672xi32, #tpu.memory_space<vmem>>, vector<16xi32>,
    %broadcast_in_dim3A_20 = arith.constant 0.000000e+00 : f32
    %broadcast_in_dim3A_21 = vector.broadcast %broadcast_in_dim3A_20 : f32 to vector<16xf32>
    %swap3A_22 = arith.constant 16656 : index
    %swap3A_23 = tpu.vector_load %arg9[%swap3A_22] {strides = array<i32>} : memref<16672xf32, #tpu.memory_space<vmem>>, vector<16xf32>,
    tpu.vector_store %arg9[%swap3A_22], %broadcast_in_dim3A_21 {strides = array<i32>} : memref<16672xf32, #tpu.memory_space<vmem>>, vector<16xf32>,
    %barrier3A = arith.constant 0 : index
    tpu.barrier barrier_id(%barrier3A)
    %mul3A_24 = arith.constant 16656 : i32
    %mul3A_25 = arith.muli %add3A, %mul3A_24 : i32
    %add3A_26 = arith.constant 0 : i32
    %add3A_27 = arith.addi %mul3A_25, %add3A_26 : i32
    "tpu.region"() ({
      %run_scoped3A = tpu.sem_alloc : memref<!tpu.dma_semaphore, #tpu.memory_space<semaphore_mem>>
      %dma_start3A_44 = arith.constant 0 : i32
      %dma_start3A_45 = tpu.memref_slice %arg7[%dma_start3A_44] : memref<16672xi32, #tpu.memory_space<vmem>> -> memref<16656xi32, #tpu.memory_space<vmem>>
      %dma_start3A_46 = tpu.memref_slice %arg2[%add3A_27] : memref<532992xi32, #tpu.memory_space<hbm>> -> memref<16656xi32, #tpu.memory_space<hbm>>
      %dma_start3A_47 = arith.constant 0 : i32
      %dma_start3A_48 = tpu.memref_slice %arg7[%dma_start3A_47] : memref<16672xi32, #tpu.memory_space<vmem>> -> memref<16656xi32, #tpu.memory_space<vmem>>
      %dma_start3A_49 = tpu.memref_slice %arg2[%add3A_27] : memref<532992xi32, #tpu.memory_space<hbm>> -> memref<16656xi32, #tpu.memory_space<hbm>>
      tpu.enqueue_dma source(%dma_start3A_49 : memref<16656xi32, #tpu.memory_space<hbm>>) target(%dma_start3A_48 : memref<16656xi32, #tpu.memory_space<vmem>>) target_semaphore(%run_scoped3A : memref<!tpu.dma_semaphore, #tpu.memory_space<semaphore_mem>>)
      %dma_wait3A_50 = arith.constant 0 : i32
      %dma_wait3A_51 = tpu.memref_slice %arg7[%dma_wait3A_50] : memref<16672xi32, #tpu.memory_space<vmem>> -> memref<16656xi32, #tpu.memory_space<vmem>>
      %dma_wait3A_52 = tpu.memref_slice %arg2[%add3A_27] : memref<532992xi32, #tpu.memory_space<hbm>> -> memref<16656xi32, #tpu.memory_space<hbm>>
      %dma_wait3A_53 = arith.constant 0 : i32
      %dma_wait3A_54 = tpu.memref_slice %arg7[%dma_wait3A_53] : memref<16672xi32, #tpu.memory_space<vmem>> -> memref<16656xi32, #tpu.memory_space<vmem>>
      %dma_wait3A_55 = tpu.memref_slice %arg2[%add3A_27] : memref<532992xi32, #tpu.memory_space<hbm>> -> memref<16656xi32, #tpu.memory_space<hbm>>
      tpu.wait_dma2 semaphore(%run_scoped3A : memref<!tpu.dma_semaphore, #tpu.memory_space<semaphore_mem>>) src(%dma_wait3A_55 : memref<16656xi32, #tpu.memory_space<hbm>>) dst(%dma_wait3A_54 : memref<16656xi32, #tpu.memory_space<vmem>>)
      tpu.yield
    }) : () -> ()
    "tpu.region"() ({
      %run_scoped3A = tpu.sem_alloc : memref<!tpu.dma_semaphore, #tpu.memory_space<semaphore_mem>>
      %dma_start3A_44 = arith.constant 0 : i32
      %dma_start3A_45 = tpu.memref_slice %arg8[%dma_start3A_44] : memref<16672xi32, #tpu.memory_space<vmem>> -> memref<16656xi32, #tpu.memory_space<vmem>>
      %dma_start3A_46 = tpu.memref_slice %arg3[%add3A_27] : memref<532992xi32, #tpu.memory_space<hbm>> -> memref<16656xi32, #tpu.memory_space<hbm>>
      %dma_start3A_47 = arith.constant 0 : i32
      %dma_start3A_48 = tpu.memref_slice %arg8[%dma_start3A_47] : memref<16672xi32, #tpu.memory_space<vmem>> -> memref<16656xi32, #tpu.memory_space<vmem>>
      %dma_start3A_49 = tpu.memref_slice %arg3[%add3A_27] : memref<532992xi32, #tpu.memory_space<hbm>> -> memref<16656xi32, #tpu.memory_space<hbm>>
      tpu.enqueue_dma source(%dma_start3A_49 : memref<16656xi32, #tpu.memory_space<hbm>>) target(%dma_start3A_48 : memref<16656xi32, #tpu.memory_space<vmem>>) target_semaphore(%run_scoped3A : memref<!tpu.dma_semaphore, #tpu.memory_space<semaphore_mem>>)
      %dma_wait3A_50 = arith.constant 0 : i32
      %dma_wait3A_51 = tpu.memref_slice %arg8[%dma_wait3A_50] : memref<16672xi32, #tpu.memory_space<vmem>> -> memref<16656xi32, #tpu.memory_space<vmem>>
      %dma_wait3A_52 = tpu.memref_slice %arg3[%add3A_27] : memref<532992xi32, #tpu.memory_space<hbm>> -> memref<16656xi32, #tpu.memory_space<hbm>>
      %dma_wait3A_53 = arith.constant 0 : i32
      %dma_wait3A_54 = tpu.memref_slice %arg8[%dma_wait3A_53] : memref<16672xi32, #tpu.memory_space<vmem>> -> memref<16656xi32, #tpu.memory_space<vmem>>
      %dma_wait3A_55 = tpu.memref_slice %arg3[%add3A_27] : memref<532992xi32, #tpu.memory_space<hbm>> -> memref<16656xi32, #tpu.memory_space<hbm>>
      tpu.wait_dma2 semaphore(%run_scoped3A : memref<!tpu.dma_semaphore, #tpu.memory_space<semaphore_mem>>) src(%dma_wait3A_55 : memref<16656xi32, #tpu.memory_space<hbm>>) dst(%dma_wait3A_54 : memref<16656xi32, #tpu.memory_space<vmem>>)
      tpu.yield
    }) : () -> ()
    "tpu.region"() ({
      %run_scoped3A = tpu.sem_alloc : memref<!tpu.dma_semaphore, #tpu.memory_space<semaphore_mem>>
      %dma_start3A_44 = arith.constant 0 : i32
      %dma_start3A_45 = tpu.memref_slice %arg9[%dma_start3A_44] : memref<16672xf32, #tpu.memory_space<vmem>> -> memref<16656xf32, #tpu.memory_space<vmem>>
      %dma_start3A_46 = tpu.memref_slice %arg4[%add3A_27] : memref<532992xf32, #tpu.memory_space<hbm>> -> memref<16656xf32, #tpu.memory_space<hbm>>
      %dma_start3A_47 = arith.constant 0 : i32
      %dma_start3A_48 = tpu.memref_slice %arg9[%dma_start3A_47] : memref<16672xf32, #tpu.memory_space<vmem>> -> memref<16656xf32, #tpu.memory_space<vmem>>
      %dma_start3A_49 = tpu.memref_slice %arg4[%add3A_27] : memref<532992xf32, #tpu.memory_space<hbm>> -> memref<16656xf32, #tpu.memory_space<hbm>>
      tpu.enqueue_dma source(%dma_start3A_49 : memref<16656xf32, #tpu.memory_space<hbm>>) target(%dma_start3A_48 : memref<16656xf32, #tpu.memory_space<vmem>>) target_semaphore(%run_scoped3A : memref<!tpu.dma_semaphore, #tpu.memory_space<semaphore_mem>>)
      %dma_wait3A_50 = arith.constant 0 : i32
      %dma_wait3A_51 = tpu.memref_slice %arg9[%dma_wait3A_50] : memref<16672xf32, #tpu.memory_space<vmem>> -> memref<16656xf32, #tpu.memory_space<vmem>>
      %dma_wait3A_52 = tpu.memref_slice %arg4[%add3A_27] : memref<532992xf32, #tpu.memory_space<hbm>> -> memref<16656xf32, #tpu.memory_space<hbm>>
      %dma_wait3A_53 = arith.constant 0 : i32
      %dma_wait3A_54 = tpu.memref_slice %arg9[%dma_wait3A_53] : memref<16672xf32, #tpu.memory_space<vmem>> -> memref<16656xf32, #tpu.memory_space<vmem>>
      %dma_wait3A_55 = tpu.memref_slice %arg4[%add3A_27] : memref<532992xf32, #tpu.memory_space<hbm>> -> memref<16656xf32, #tpu.memory_space<hbm>>
      tpu.wait_dma2 semaphore(%run_scoped3A : memref<!tpu.dma_semaphore, #tpu.memory_space<semaphore_mem>>) src(%dma_wait3A_55 : memref<16656xf32, #tpu.memory_space<hbm>>) dst(%dma_wait3A_54 : memref<16656xf32, #tpu.memory_space<vmem>>)
      tpu.yield
    }) : () -> ()
    %dma_start3A = arith.constant 0 : i32
    %dma_start3A_28 = tpu.memref_slice %arg12[%dma_start3A] : memref<250880xf32, #tpu.memory_space<vmem_shared>> -> memref<250880xf32, #tpu.memory_space<vmem_shared>>
    tpu.enqueue_indirect_dma source(%dma_start3A_28 : memref<250880xf32, #tpu.memory_space<vmem_shared>>) target(%arg10 : memref<16672xf32, #tpu.memory_space<vmem>>) offsets(%arg7 : memref<16672xi32, #tpu.memory_space<vmem>>) semaphore(%arg14 : memref<!tpu.dma_semaphore, #tpu.memory_space<semaphore_mem>>)
    %dma_wait3A = arith.constant 0 : i32
    %dma_wait3A_29 = tpu.memref_slice %arg12[%dma_wait3A] : memref<250880xf32, #tpu.memory_space<vmem_shared>> -> memref<250880xf32, #tpu.memory_space<vmem_shared>>
    tpu.wait_indirect_dma semaphore(%arg14 : memref<!tpu.dma_semaphore, #tpu.memory_space<semaphore_mem>>) src(%dma_wait3A_29 : memref<250880xf32, #tpu.memory_space<vmem_shared>>) dst(%arg10 : memref<16672xf32, #tpu.memory_space<vmem>>)
    %scan3A_30 = arith.constant 0 : i32
    %scan3A_31 = arith.constant 0 : i32
    %scan3A_32 = arith.constant 1042 : i32
    %scan3A_33 = arith.addi %scan3A_31, %scan3A_32 : i32
    %scan3A_34 = arith.constant 1 : i32
    scf.for %scan3A_44 = %scan3A_31 to %scan3A_33 step %scan3A_34  : i32 {
      %mul3A_45 = arith.constant 16 : i32
      %mul3A_46 = arith.muli %scan3A_44, %mul3A_45 : i32
      %multiple_of3A = tpu.assume_multiple %mul3A_46, 16 : i32
      %get3A = arith.index_cast %multiple_of3A : i32 to index
      %get3A_47 = tpu.vector_load %arg10[%get3A] {strides = array<i32>} : memref<16672xf32, #tpu.memory_space<vmem>>, vector<16xf32>,
      %get3A_48 = arith.index_cast %multiple_of3A : i32 to index
      %get3A_49 = tpu.vector_load %arg9[%get3A_48] {strides = array<i32>} : memref<16672xf32, #tpu.memory_space<vmem>>, vector<16xf32>,
      %mul3A_50 = arith.mulf %get3A_47, %get3A_49 : vector<16xf32>
      %swap3A_51 = arith.index_cast %multiple_of3A : i32 to index
      %swap3A_52 = tpu.vector_load %arg10[%swap3A_51] {strides = array<i32>} : memref<16672xf32, #tpu.memory_space<vmem>>, vector<16xf32>,
      tpu.vector_store %arg10[%swap3A_51], %mul3A_50 {strides = array<i32>} : memref<16672xf32, #tpu.memory_space<vmem>>, vector<16xf32>,
    }
    %scan3A_35 = arith.constant 1042 : i32
    "tpu.region"() ({
      %run_scoped3A = tpu.sem_alloc : memref<!tpu.dma_semaphore, #tpu.memory_space<semaphore_mem>>
      %dma_start3A_44 = arith.constant 0 : i32
      %dma_start3A_45 = tpu.memref_slice %arg13[%dma_start3A_44] : memref<51200xf32, #tpu.memory_space<vmem_shared>> -> memref<51200xf32, #tpu.memory_space<vmem_shared>>
      tpu.enqueue_indirect_dma source(%arg10 : memref<16672xf32, #tpu.memory_space<vmem>>) target(%dma_start3A_45 : memref<51200xf32, #tpu.memory_space<vmem_shared>>) offsets(%arg8 : memref<16672xi32, #tpu.memory_space<vmem>>) semaphore(%run_scoped3A : memref<!tpu.dma_semaphore, #tpu.memory_space<semaphore_mem>>) {add = true}
      %dma_wait3A_46 = arith.constant 0 : i32
      %dma_wait3A_47 = tpu.memref_slice %arg13[%dma_wait3A_46] : memref<51200xf32, #tpu.memory_space<vmem_shared>> -> memref<51200xf32, #tpu.memory_space<vmem_shared>>
      tpu.wait_indirect_dma semaphore(%run_scoped3A : memref<!tpu.dma_semaphore, #tpu.memory_space<semaphore_mem>>) src(%arg10 : memref<16672xf32, #tpu.memory_space<vmem>>) dst(%dma_wait3A_47 : memref<51200xf32, #tpu.memory_space<vmem_shared>>)
      tpu.yield
    }) : () -> ()
    %barrier3A_36 = arith.constant 0 : index
    tpu.barrier barrier_id(%barrier3A_36)
    %mul3A_37 = arith.constant 3200 : i32
    %mul3A_38 = arith.muli %arg1, %mul3A_37 : i32
    "tpu.region"() ({
      %run_scoped3A = tpu.sem_alloc : memref<!tpu.dma_semaphore, #tpu.memory_space<semaphore_mem>>
      %dma_start3A_44 = tpu.memref_slice %arg13[%mul3A_38] : memref<51200xf32, #tpu.memory_space<vmem_shared>> -> memref<3200xf32, #tpu.memory_space<vmem_shared>>
      %dma_start3A_45 = tpu.memref_slice %arg13[%mul3A_38] : memref<51200xf32, #tpu.memory_space<vmem_shared>> -> memref<3200xf32, #tpu.memory_space<vmem_shared>>
      tpu.enqueue_dma source(%dma_start3A_45 : memref<3200xf32, #tpu.memory_space<vmem_shared>>) target(%arg11 : memref<3200xf32, #tpu.memory_space<vmem>>) target_semaphore(%run_scoped3A : memref<!tpu.dma_semaphore, #tpu.memory_space<semaphore_mem>>)
      %dma_wait3A_46 = tpu.memref_slice %arg13[%mul3A_38] : memref<51200xf32, #tpu.memory_space<vmem_shared>> -> memref<3200xf32, #tpu.memory_space<vmem_shared>>
      %dma_wait3A_47 = tpu.memref_slice %arg13[%mul3A_38] : memref<51200xf32, #tpu.memory_space<vmem_shared>> -> memref<3200xf32, #tpu.memory_space<vmem_shared>>
      tpu.wait_dma2 semaphore(%run_scoped3A : memref<!tpu.dma_semaphore, #tpu.memory_space<semaphore_mem>>) src(%dma_wait3A_47 : memref<3200xf32, #tpu.memory_space<vmem_shared>>) dst(%arg11 : memref<3200xf32, #tpu.memory_space<vmem>>)
      tpu.yield
    }) : () -> ()
    %mul3A_39 = arith.constant 51200 : i32
    %mul3A_40 = arith.muli %arg0, %mul3A_39 : i32
    %mul3A_41 = arith.constant 3200 : i32
    %mul3A_42 = arith.muli %arg1, %mul3A_41 : i32
    %add3A_43 = arith.addi %mul3A_40, %mul3A_42 : i32
    "tpu.region"() ({
      %run_scoped3A = tpu.sem_alloc : memref<!tpu.dma_semaphore, #tpu.memory_space<semaphore_mem>>
      %dma_start3A_44 = tpu.memref_slice %arg6[%add3A_43] : memref<102400xf32, #tpu.memory_space<hbm>> -> memref<3200xf32, #tpu.memory_space<hbm>>
      %dma_start3A_45 = tpu.memref_slice %arg6[%add3A_43] : memref<102400xf32, #tpu.memory_space<hbm>> -> memref<3200xf32, #tpu.memory_space<hbm>>
      tpu.enqueue_dma source(%arg11 : memref<3200xf32, #tpu.memory_space<vmem>>) target(%dma_start3A_45 : memref<3200xf32, #tpu.memory_space<hbm>>) target_semaphore(%run_scoped3A : memref<!tpu.dma_semaphore, #tpu.memory_space<semaphore_mem>>)
      %dma_wait3A_46 = tpu.memref_slice %arg6[%add3A_43] : memref<102400xf32, #tpu.memory_space<hbm>> -> memref<3200xf32, #tpu.memory_space<hbm>>
      %dma_wait3A_47 = tpu.memref_slice %arg6[%add3A_43] : memref<102400xf32, #tpu.memory_space<hbm>> -> memref<3200xf32, #tpu.memory_space<hbm>>
      tpu.wait_dma2 semaphore(%run_scoped3A : memref<!tpu.dma_semaphore, #tpu.memory_space<semaphore_mem>>) src(%arg11 : memref<3200xf32, #tpu.memory_space<vmem>>) dst(%dma_wait3A_47 : memref<3200xf32, #tpu.memory_space<hbm>>)
      tpu.yield
    }) : () -> ()
    return
  }
}

#map = affine_map<(d0, d1) -> (0)>
module attributes {stable_mosaic.version = 14 : i64} {
  func.func @_seg_body(%arg0: i32, %arg1: i32, %arg2: memref<533504xi32, #tpu.memory_space<hbm>>, %arg3: memref<533504xi32, #tpu.memory_space<hbm>>, %arg4: memref<533504xf32, #tpu.memory_space<hbm>>, %arg5: memref<250880xf32, #tpu.memory_space<hbm>>, %arg6: memref<102400xf32, #tpu.memory_space<hbm>>, %arg7: memref<16688xi32, #tpu.memory_space<vmem>>, %arg8: memref<16688xi32, #tpu.memory_space<vmem>>, %arg9: memref<16688xf32, #tpu.memory_space<vmem>>, %arg10: memref<16688xf32, #tpu.memory_space<vmem>>, %arg11: memref<3200xf32, #tpu.memory_space<vmem>>, %arg12: memref<250880xf32, #tpu.memory_space<vmem_shared>>, %arg13: memref<51200xf32, #tpu.memory_space<vmem_shared>>, %arg14: memref<!tpu.dma_semaphore, #tpu.memory_space<semaphore_mem>>) attributes {dimension_semantics = [#tpu.dimension_semantics<core_parallel>, #tpu.dimension_semantics<subcore_parallel>], iteration_bounds = array<i64: 2, 16>, scalar_prefetch = 0 : i64, scratch_operands = 8 : i64, tpu.core_type = #tpu.core_type<sc_vector_subcore>, window_params = [{transform_indices = #map}, {transform_indices = #map}, {transform_indices = #map}, {transform_indices = #map}, {transform_indices = #map}]} {
    %mul3A = arith.constant 2 : i32
    %mul3A_0 = arith.muli %arg1, %mul3A : i32
    %add3A = arith.addi %mul3A_0, %arg0 : i32
    %mul3A_1 = arith.constant 15680 : i32
    %mul3A_2 = arith.muli %arg1, %mul3A_1 : i32
    %add3A_3 = arith.constant 0 : i32
    %add3A_4 = arith.addi %mul3A_2, %add3A_3 : i32
    "tpu.region"() ({
      %run_scoped3A = tpu.sem_alloc : memref<!tpu.dma_semaphore, #tpu.memory_space<semaphore_mem>>
      %dma_start3A_44 = arith.constant 0 : i32
      %dma_start3A_45 = tpu.memref_slice %arg10[%dma_start3A_44] : memref<16688xf32, #tpu.memory_space<vmem>> -> memref<7840xf32, #tpu.memory_space<vmem>>
      %dma_start3A_46 = tpu.memref_slice %arg5[%add3A_4] : memref<250880xf32, #tpu.memory_space<hbm>> -> memref<7840xf32, #tpu.memory_space<hbm>>
      %dma_start3A_47 = arith.constant 0 : i32
      %dma_start3A_48 = tpu.memref_slice %arg10[%dma_start3A_47] : memref<16688xf32, #tpu.memory_space<vmem>> -> memref<7840xf32, #tpu.memory_space<vmem>>
      %dma_start3A_49 = tpu.memref_slice %arg5[%add3A_4] : memref<250880xf32, #tpu.memory_space<hbm>> -> memref<7840xf32, #tpu.memory_space<hbm>>
      tpu.enqueue_dma source(%dma_start3A_49 : memref<7840xf32, #tpu.memory_space<hbm>>) target(%dma_start3A_48 : memref<7840xf32, #tpu.memory_space<vmem>>) target_semaphore(%run_scoped3A : memref<!tpu.dma_semaphore, #tpu.memory_space<semaphore_mem>>)
      %dma_wait3A_50 = arith.constant 0 : i32
      %dma_wait3A_51 = tpu.memref_slice %arg10[%dma_wait3A_50] : memref<16688xf32, #tpu.memory_space<vmem>> -> memref<7840xf32, #tpu.memory_space<vmem>>
      %dma_wait3A_52 = tpu.memref_slice %arg5[%add3A_4] : memref<250880xf32, #tpu.memory_space<hbm>> -> memref<7840xf32, #tpu.memory_space<hbm>>
      %dma_wait3A_53 = arith.constant 0 : i32
      %dma_wait3A_54 = tpu.memref_slice %arg10[%dma_wait3A_53] : memref<16688xf32, #tpu.memory_space<vmem>> -> memref<7840xf32, #tpu.memory_space<vmem>>
      %dma_wait3A_55 = tpu.memref_slice %arg5[%add3A_4] : memref<250880xf32, #tpu.memory_space<hbm>> -> memref<7840xf32, #tpu.memory_space<hbm>>
      tpu.wait_dma2 semaphore(%run_scoped3A : memref<!tpu.dma_semaphore, #tpu.memory_space<semaphore_mem>>) src(%dma_wait3A_55 : memref<7840xf32, #tpu.memory_space<hbm>>) dst(%dma_wait3A_54 : memref<7840xf32, #tpu.memory_space<vmem>>)
      tpu.yield
    }) : () -> ()
    "tpu.region"() ({
      %run_scoped3A = tpu.sem_alloc : memref<!tpu.dma_semaphore, #tpu.memory_space<semaphore_mem>>
      %dma_start3A_44 = arith.constant 0 : i32
      %dma_start3A_45 = tpu.memref_slice %arg10[%dma_start3A_44] : memref<16688xf32, #tpu.memory_space<vmem>> -> memref<7840xf32, #tpu.memory_space<vmem>>
      %dma_start3A_46 = tpu.memref_slice %arg12[%add3A_4] : memref<250880xf32, #tpu.memory_space<vmem_shared>> -> memref<7840xf32, #tpu.memory_space<vmem_shared>>
      %dma_start3A_47 = tpu.memref_slice %arg12[%add3A_4] : memref<250880xf32, #tpu.memory_space<vmem_shared>> -> memref<7840xf32, #tpu.memory_space<vmem_shared>>
      %dma_start3A_48 = arith.constant 0 : i32
      %dma_start3A_49 = tpu.memref_slice %arg10[%dma_start3A_48] : memref<16688xf32, #tpu.memory_space<vmem>> -> memref<7840xf32, #tpu.memory_space<vmem>>
      tpu.enqueue_dma source(%dma_start3A_49 : memref<7840xf32, #tpu.memory_space<vmem>>) target(%dma_start3A_47 : memref<7840xf32, #tpu.memory_space<vmem_shared>>) target_semaphore(%run_scoped3A : memref<!tpu.dma_semaphore, #tpu.memory_space<semaphore_mem>>)
      %dma_wait3A_50 = arith.constant 0 : i32
      %dma_wait3A_51 = tpu.memref_slice %arg10[%dma_wait3A_50] : memref<16688xf32, #tpu.memory_space<vmem>> -> memref<7840xf32, #tpu.memory_space<vmem>>
      %dma_wait3A_52 = tpu.memref_slice %arg12[%add3A_4] : memref<250880xf32, #tpu.memory_space<vmem_shared>> -> memref<7840xf32, #tpu.memory_space<vmem_shared>>
      %dma_wait3A_53 = tpu.memref_slice %arg12[%add3A_4] : memref<250880xf32, #tpu.memory_space<vmem_shared>> -> memref<7840xf32, #tpu.memory_space<vmem_shared>>
      %dma_wait3A_54 = arith.constant 0 : i32
      %dma_wait3A_55 = tpu.memref_slice %arg10[%dma_wait3A_54] : memref<16688xf32, #tpu.memory_space<vmem>> -> memref<7840xf32, #tpu.memory_space<vmem>>
      tpu.wait_dma2 semaphore(%run_scoped3A : memref<!tpu.dma_semaphore, #tpu.memory_space<semaphore_mem>>) src(%dma_wait3A_55 : memref<7840xf32, #tpu.memory_space<vmem>>) dst(%dma_wait3A_53 : memref<7840xf32, #tpu.memory_space<vmem_shared>>)
      tpu.yield
    }) : () -> ()
    %mul3A_5 = arith.constant 15680 : i32
    %mul3A_6 = arith.muli %arg1, %mul3A_5 : i32
    %add3A_7 = arith.constant 7840 : i32
    %add3A_8 = arith.addi %mul3A_6, %add3A_7 : i32
    "tpu.region"() ({
      %run_scoped3A = tpu.sem_alloc : memref<!tpu.dma_semaphore, #tpu.memory_space<semaphore_mem>>
      %dma_start3A_44 = arith.constant 0 : i32
      %dma_start3A_45 = tpu.memref_slice %arg10[%dma_start3A_44] : memref<16688xf32, #tpu.memory_space<vmem>> -> memref<7840xf32, #tpu.memory_space<vmem>>
      %dma_start3A_46 = tpu.memref_slice %arg5[%add3A_8] : memref<250880xf32, #tpu.memory_space<hbm>> -> memref<7840xf32, #tpu.memory_space<hbm>>
      %dma_start3A_47 = arith.constant 0 : i32
      %dma_start3A_48 = tpu.memref_slice %arg10[%dma_start3A_47] : memref<16688xf32, #tpu.memory_space<vmem>> -> memref<7840xf32, #tpu.memory_space<vmem>>
      %dma_start3A_49 = tpu.memref_slice %arg5[%add3A_8] : memref<250880xf32, #tpu.memory_space<hbm>> -> memref<7840xf32, #tpu.memory_space<hbm>>
      tpu.enqueue_dma source(%dma_start3A_49 : memref<7840xf32, #tpu.memory_space<hbm>>) target(%dma_start3A_48 : memref<7840xf32, #tpu.memory_space<vmem>>) target_semaphore(%run_scoped3A : memref<!tpu.dma_semaphore, #tpu.memory_space<semaphore_mem>>)
      %dma_wait3A_50 = arith.constant 0 : i32
      %dma_wait3A_51 = tpu.memref_slice %arg10[%dma_wait3A_50] : memref<16688xf32, #tpu.memory_space<vmem>> -> memref<7840xf32, #tpu.memory_space<vmem>>
      %dma_wait3A_52 = tpu.memref_slice %arg5[%add3A_8] : memref<250880xf32, #tpu.memory_space<hbm>> -> memref<7840xf32, #tpu.memory_space<hbm>>
      %dma_wait3A_53 = arith.constant 0 : i32
      %dma_wait3A_54 = tpu.memref_slice %arg10[%dma_wait3A_53] : memref<16688xf32, #tpu.memory_space<vmem>> -> memref<7840xf32, #tpu.memory_space<vmem>>
      %dma_wait3A_55 = tpu.memref_slice %arg5[%add3A_8] : memref<250880xf32, #tpu.memory_space<hbm>> -> memref<7840xf32, #tpu.memory_space<hbm>>
      tpu.wait_dma2 semaphore(%run_scoped3A : memref<!tpu.dma_semaphore, #tpu.memory_space<semaphore_mem>>) src(%dma_wait3A_55 : memref<7840xf32, #tpu.memory_space<hbm>>) dst(%dma_wait3A_54 : memref<7840xf32, #tpu.memory_space<vmem>>)
      tpu.yield
    }) : () -> ()
    "tpu.region"() ({
      %run_scoped3A = tpu.sem_alloc : memref<!tpu.dma_semaphore, #tpu.memory_space<semaphore_mem>>
      %dma_start3A_44 = arith.constant 0 : i32
      %dma_start3A_45 = tpu.memref_slice %arg10[%dma_start3A_44] : memref<16688xf32, #tpu.memory_space<vmem>> -> memref<7840xf32, #tpu.memory_space<vmem>>
      %dma_start3A_46 = tpu.memref_slice %arg12[%add3A_8] : memref<250880xf32, #tpu.memory_space<vmem_shared>> -> memref<7840xf32, #tpu.memory_space<vmem_shared>>
      %dma_start3A_47 = tpu.memref_slice %arg12[%add3A_8] : memref<250880xf32, #tpu.memory_space<vmem_shared>> -> memref<7840xf32, #tpu.memory_space<vmem_shared>>
      %dma_start3A_48 = arith.constant 0 : i32
      %dma_start3A_49 = tpu.memref_slice %arg10[%dma_start3A_48] : memref<16688xf32, #tpu.memory_space<vmem>> -> memref<7840xf32, #tpu.memory_space<vmem>>
      tpu.enqueue_dma source(%dma_start3A_49 : memref<7840xf32, #tpu.memory_space<vmem>>) target(%dma_start3A_47 : memref<7840xf32, #tpu.memory_space<vmem_shared>>) target_semaphore(%run_scoped3A : memref<!tpu.dma_semaphore, #tpu.memory_space<semaphore_mem>>)
      %dma_wait3A_50 = arith.constant 0 : i32
      %dma_wait3A_51 = tpu.memref_slice %arg10[%dma_wait3A_50] : memref<16688xf32, #tpu.memory_space<vmem>> -> memref<7840xf32, #tpu.memory_space<vmem>>
      %dma_wait3A_52 = tpu.memref_slice %arg12[%add3A_8] : memref<250880xf32, #tpu.memory_space<vmem_shared>> -> memref<7840xf32, #tpu.memory_space<vmem_shared>>
      %dma_wait3A_53 = tpu.memref_slice %arg12[%add3A_8] : memref<250880xf32, #tpu.memory_space<vmem_shared>> -> memref<7840xf32, #tpu.memory_space<vmem_shared>>
      %dma_wait3A_54 = arith.constant 0 : i32
      %dma_wait3A_55 = tpu.memref_slice %arg10[%dma_wait3A_54] : memref<16688xf32, #tpu.memory_space<vmem>> -> memref<7840xf32, #tpu.memory_space<vmem>>
      tpu.wait_dma2 semaphore(%run_scoped3A : memref<!tpu.dma_semaphore, #tpu.memory_space<semaphore_mem>>) src(%dma_wait3A_55 : memref<7840xf32, #tpu.memory_space<vmem>>) dst(%dma_wait3A_53 : memref<7840xf32, #tpu.memory_space<vmem_shared>>)
      tpu.yield
    }) : () -> ()
    %scan3A = arith.constant 0 : i32
    %scan3A_9 = arith.constant 0 : i32
    %scan3A_10 = arith.constant 200 : i32
    %scan3A_11 = arith.addi %scan3A_9, %scan3A_10 : i32
    %scan3A_12 = arith.constant 1 : i32
    scf.for %scan3A_44 = %scan3A_9 to %scan3A_11 step %scan3A_12  : i32 {
      %broadcast_in_dim3A_45 = arith.constant 0.000000e+00 : f32
      %broadcast_in_dim3A_46 = vector.broadcast %broadcast_in_dim3A_45 : f32 to vector<16xf32>
      %mul3A_47 = arith.constant 16 : i32
      %mul3A_48 = arith.muli %scan3A_44, %mul3A_47 : i32
      %multiple_of3A = tpu.assume_multiple %mul3A_48, 16 : i32
      %swap3A_49 = arith.index_cast %multiple_of3A : i32 to index
      %swap3A_50 = tpu.vector_load %arg11[%swap3A_49] {strides = array<i32>} : memref<3200xf32, #tpu.memory_space<vmem>>, vector<16xf32>,
      tpu.vector_store %arg11[%swap3A_49], %broadcast_in_dim3A_46 {strides = array<i32>} : memref<3200xf32, #tpu.memory_space<vmem>>, vector<16xf32>,
    }
    %scan3A_13 = arith.constant 200 : i32
    %mul3A_14 = arith.constant 3200 : i32
    %mul3A_15 = arith.muli %arg1, %mul3A_14 : i32
    "tpu.region"() ({
      %run_scoped3A = tpu.sem_alloc : memref<!tpu.dma_semaphore, #tpu.memory_space<semaphore_mem>>
      %dma_start3A_44 = tpu.memref_slice %arg13[%mul3A_15] : memref<51200xf32, #tpu.memory_space<vmem_shared>> -> memref<3200xf32, #tpu.memory_space<vmem_shared>>
      %dma_start3A_45 = tpu.memref_slice %arg13[%mul3A_15] : memref<51200xf32, #tpu.memory_space<vmem_shared>> -> memref<3200xf32, #tpu.memory_space<vmem_shared>>
      tpu.enqueue_dma source(%arg11 : memref<3200xf32, #tpu.memory_space<vmem>>) target(%dma_start3A_45 : memref<3200xf32, #tpu.memory_space<vmem_shared>>) target_semaphore(%run_scoped3A : memref<!tpu.dma_semaphore, #tpu.memory_space<semaphore_mem>>)
      %dma_wait3A_46 = tpu.memref_slice %arg13[%mul3A_15] : memref<51200xf32, #tpu.memory_space<vmem_shared>> -> memref<3200xf32, #tpu.memory_space<vmem_shared>>
      %dma_wait3A_47 = tpu.memref_slice %arg13[%mul3A_15] : memref<51200xf32, #tpu.memory_space<vmem_shared>> -> memref<3200xf32, #tpu.memory_space<vmem_shared>>
      tpu.wait_dma2 semaphore(%run_scoped3A : memref<!tpu.dma_semaphore, #tpu.memory_space<semaphore_mem>>) src(%arg11 : memref<3200xf32, #tpu.memory_space<vmem>>) dst(%dma_wait3A_47 : memref<3200xf32, #tpu.memory_space<vmem_shared>>)
      tpu.yield
    }) : () -> ()
    %broadcast_in_dim3A = arith.constant 0 : i32
    %broadcast_in_dim3A_16 = vector.broadcast %broadcast_in_dim3A : i32 to vector<16xi32>
    %swap3A = arith.constant 16672 : index
    %swap3A_17 = tpu.vector_load %arg7[%swap3A] {strides = array<i32>} : memref<16688xi32, #tpu.memory_space<vmem>>, vector<16xi32>,
    tpu.vector_store %arg7[%swap3A], %broadcast_in_dim3A_16 {strides = array<i32>} : memref<16688xi32, #tpu.memory_space<vmem>>, vector<16xi32>,
    %swap3A_18 = arith.constant 16672 : index
    %swap3A_19 = tpu.vector_load %arg8[%swap3A_18] {strides = array<i32>} : memref<16688xi32, #tpu.memory_space<vmem>>, vector<16xi32>,
    tpu.vector_store %arg8[%swap3A_18], %broadcast_in_dim3A_16 {strides = array<i32>} : memref<16688xi32, #tpu.memory_space<vmem>>, vector<16xi32>,
    %broadcast_in_dim3A_20 = arith.constant 0.000000e+00 : f32
    %broadcast_in_dim3A_21 = vector.broadcast %broadcast_in_dim3A_20 : f32 to vector<16xf32>
    %swap3A_22 = arith.constant 16672 : index
    %swap3A_23 = tpu.vector_load %arg9[%swap3A_22] {strides = array<i32>} : memref<16688xf32, #tpu.memory_space<vmem>>, vector<16xf32>,
    tpu.vector_store %arg9[%swap3A_22], %broadcast_in_dim3A_21 {strides = array<i32>} : memref<16688xf32, #tpu.memory_space<vmem>>, vector<16xf32>,
    %barrier3A = arith.constant 0 : index
    tpu.barrier barrier_id(%barrier3A)
    %mul3A_24 = arith.constant 16672 : i32
    %mul3A_25 = arith.muli %add3A, %mul3A_24 : i32
    %add3A_26 = arith.constant 0 : i32
    %add3A_27 = arith.addi %mul3A_25, %add3A_26 : i32
    "tpu.region"() ({
      %run_scoped3A = tpu.sem_alloc : memref<!tpu.dma_semaphore, #tpu.memory_space<semaphore_mem>>
      %dma_start3A_44 = arith.constant 0 : i32
      %dma_start3A_45 = tpu.memref_slice %arg7[%dma_start3A_44] : memref<16688xi32, #tpu.memory_space<vmem>> -> memref<16672xi32, #tpu.memory_space<vmem>>
      %dma_start3A_46 = tpu.memref_slice %arg2[%add3A_27] : memref<533504xi32, #tpu.memory_space<hbm>> -> memref<16672xi32, #tpu.memory_space<hbm>>
      %dma_start3A_47 = arith.constant 0 : i32
      %dma_start3A_48 = tpu.memref_slice %arg7[%dma_start3A_47] : memref<16688xi32, #tpu.memory_space<vmem>> -> memref<16672xi32, #tpu.memory_space<vmem>>
      %dma_start3A_49 = tpu.memref_slice %arg2[%add3A_27] : memref<533504xi32, #tpu.memory_space<hbm>> -> memref<16672xi32, #tpu.memory_space<hbm>>
      tpu.enqueue_dma source(%dma_start3A_49 : memref<16672xi32, #tpu.memory_space<hbm>>) target(%dma_start3A_48 : memref<16672xi32, #tpu.memory_space<vmem>>) target_semaphore(%run_scoped3A : memref<!tpu.dma_semaphore, #tpu.memory_space<semaphore_mem>>)
      %dma_wait3A_50 = arith.constant 0 : i32
      %dma_wait3A_51 = tpu.memref_slice %arg7[%dma_wait3A_50] : memref<16688xi32, #tpu.memory_space<vmem>> -> memref<16672xi32, #tpu.memory_space<vmem>>
      %dma_wait3A_52 = tpu.memref_slice %arg2[%add3A_27] : memref<533504xi32, #tpu.memory_space<hbm>> -> memref<16672xi32, #tpu.memory_space<hbm>>
      %dma_wait3A_53 = arith.constant 0 : i32
      %dma_wait3A_54 = tpu.memref_slice %arg7[%dma_wait3A_53] : memref<16688xi32, #tpu.memory_space<vmem>> -> memref<16672xi32, #tpu.memory_space<vmem>>
      %dma_wait3A_55 = tpu.memref_slice %arg2[%add3A_27] : memref<533504xi32, #tpu.memory_space<hbm>> -> memref<16672xi32, #tpu.memory_space<hbm>>
      tpu.wait_dma2 semaphore(%run_scoped3A : memref<!tpu.dma_semaphore, #tpu.memory_space<semaphore_mem>>) src(%dma_wait3A_55 : memref<16672xi32, #tpu.memory_space<hbm>>) dst(%dma_wait3A_54 : memref<16672xi32, #tpu.memory_space<vmem>>)
      tpu.yield
    }) : () -> ()
    "tpu.region"() ({
      %run_scoped3A = tpu.sem_alloc : memref<!tpu.dma_semaphore, #tpu.memory_space<semaphore_mem>>
      %dma_start3A_44 = arith.constant 0 : i32
      %dma_start3A_45 = tpu.memref_slice %arg8[%dma_start3A_44] : memref<16688xi32, #tpu.memory_space<vmem>> -> memref<16672xi32, #tpu.memory_space<vmem>>
      %dma_start3A_46 = tpu.memref_slice %arg3[%add3A_27] : memref<533504xi32, #tpu.memory_space<hbm>> -> memref<16672xi32, #tpu.memory_space<hbm>>
      %dma_start3A_47 = arith.constant 0 : i32
      %dma_start3A_48 = tpu.memref_slice %arg8[%dma_start3A_47] : memref<16688xi32, #tpu.memory_space<vmem>> -> memref<16672xi32, #tpu.memory_space<vmem>>
      %dma_start3A_49 = tpu.memref_slice %arg3[%add3A_27] : memref<533504xi32, #tpu.memory_space<hbm>> -> memref<16672xi32, #tpu.memory_space<hbm>>
      tpu.enqueue_dma source(%dma_start3A_49 : memref<16672xi32, #tpu.memory_space<hbm>>) target(%dma_start3A_48 : memref<16672xi32, #tpu.memory_space<vmem>>) target_semaphore(%run_scoped3A : memref<!tpu.dma_semaphore, #tpu.memory_space<semaphore_mem>>)
      %dma_wait3A_50 = arith.constant 0 : i32
      %dma_wait3A_51 = tpu.memref_slice %arg8[%dma_wait3A_50] : memref<16688xi32, #tpu.memory_space<vmem>> -> memref<16672xi32, #tpu.memory_space<vmem>>
      %dma_wait3A_52 = tpu.memref_slice %arg3[%add3A_27] : memref<533504xi32, #tpu.memory_space<hbm>> -> memref<16672xi32, #tpu.memory_space<hbm>>
      %dma_wait3A_53 = arith.constant 0 : i32
      %dma_wait3A_54 = tpu.memref_slice %arg8[%dma_wait3A_53] : memref<16688xi32, #tpu.memory_space<vmem>> -> memref<16672xi32, #tpu.memory_space<vmem>>
      %dma_wait3A_55 = tpu.memref_slice %arg3[%add3A_27] : memref<533504xi32, #tpu.memory_space<hbm>> -> memref<16672xi32, #tpu.memory_space<hbm>>
      tpu.wait_dma2 semaphore(%run_scoped3A : memref<!tpu.dma_semaphore, #tpu.memory_space<semaphore_mem>>) src(%dma_wait3A_55 : memref<16672xi32, #tpu.memory_space<hbm>>) dst(%dma_wait3A_54 : memref<16672xi32, #tpu.memory_space<vmem>>)
      tpu.yield
    }) : () -> ()
    "tpu.region"() ({
      %run_scoped3A = tpu.sem_alloc : memref<!tpu.dma_semaphore, #tpu.memory_space<semaphore_mem>>
      %dma_start3A_44 = arith.constant 0 : i32
      %dma_start3A_45 = tpu.memref_slice %arg9[%dma_start3A_44] : memref<16688xf32, #tpu.memory_space<vmem>> -> memref<16672xf32, #tpu.memory_space<vmem>>
      %dma_start3A_46 = tpu.memref_slice %arg4[%add3A_27] : memref<533504xf32, #tpu.memory_space<hbm>> -> memref<16672xf32, #tpu.memory_space<hbm>>
      %dma_start3A_47 = arith.constant 0 : i32
      %dma_start3A_48 = tpu.memref_slice %arg9[%dma_start3A_47] : memref<16688xf32, #tpu.memory_space<vmem>> -> memref<16672xf32, #tpu.memory_space<vmem>>
      %dma_start3A_49 = tpu.memref_slice %arg4[%add3A_27] : memref<533504xf32, #tpu.memory_space<hbm>> -> memref<16672xf32, #tpu.memory_space<hbm>>
      tpu.enqueue_dma source(%dma_start3A_49 : memref<16672xf32, #tpu.memory_space<hbm>>) target(%dma_start3A_48 : memref<16672xf32, #tpu.memory_space<vmem>>) target_semaphore(%run_scoped3A : memref<!tpu.dma_semaphore, #tpu.memory_space<semaphore_mem>>)
      %dma_wait3A_50 = arith.constant 0 : i32
      %dma_wait3A_51 = tpu.memref_slice %arg9[%dma_wait3A_50] : memref<16688xf32, #tpu.memory_space<vmem>> -> memref<16672xf32, #tpu.memory_space<vmem>>
      %dma_wait3A_52 = tpu.memref_slice %arg4[%add3A_27] : memref<533504xf32, #tpu.memory_space<hbm>> -> memref<16672xf32, #tpu.memory_space<hbm>>
      %dma_wait3A_53 = arith.constant 0 : i32
      %dma_wait3A_54 = tpu.memref_slice %arg9[%dma_wait3A_53] : memref<16688xf32, #tpu.memory_space<vmem>> -> memref<16672xf32, #tpu.memory_space<vmem>>
      %dma_wait3A_55 = tpu.memref_slice %arg4[%add3A_27] : memref<533504xf32, #tpu.memory_space<hbm>> -> memref<16672xf32, #tpu.memory_space<hbm>>
      tpu.wait_dma2 semaphore(%run_scoped3A : memref<!tpu.dma_semaphore, #tpu.memory_space<semaphore_mem>>) src(%dma_wait3A_55 : memref<16672xf32, #tpu.memory_space<hbm>>) dst(%dma_wait3A_54 : memref<16672xf32, #tpu.memory_space<vmem>>)
      tpu.yield
    }) : () -> ()
    %dma_start3A = arith.constant 0 : i32
    %dma_start3A_28 = tpu.memref_slice %arg12[%dma_start3A] : memref<250880xf32, #tpu.memory_space<vmem_shared>> -> memref<250880xf32, #tpu.memory_space<vmem_shared>>
    tpu.enqueue_indirect_dma source(%dma_start3A_28 : memref<250880xf32, #tpu.memory_space<vmem_shared>>) target(%arg10 : memref<16688xf32, #tpu.memory_space<vmem>>) offsets(%arg7 : memref<16688xi32, #tpu.memory_space<vmem>>) semaphore(%arg14 : memref<!tpu.dma_semaphore, #tpu.memory_space<semaphore_mem>>)
    %dma_wait3A = arith.constant 0 : i32
    %dma_wait3A_29 = tpu.memref_slice %arg12[%dma_wait3A] : memref<250880xf32, #tpu.memory_space<vmem_shared>> -> memref<250880xf32, #tpu.memory_space<vmem_shared>>
    tpu.wait_indirect_dma semaphore(%arg14 : memref<!tpu.dma_semaphore, #tpu.memory_space<semaphore_mem>>) src(%dma_wait3A_29 : memref<250880xf32, #tpu.memory_space<vmem_shared>>) dst(%arg10 : memref<16688xf32, #tpu.memory_space<vmem>>)
    %scan3A_30 = arith.constant 0 : i32
    %scan3A_31 = arith.constant 0 : i32
    %scan3A_32 = arith.constant 1043 : i32
    %scan3A_33 = arith.addi %scan3A_31, %scan3A_32 : i32
    %scan3A_34 = arith.constant 1 : i32
    scf.for %scan3A_44 = %scan3A_31 to %scan3A_33 step %scan3A_34  : i32 {
      %mul3A_45 = arith.constant 16 : i32
      %mul3A_46 = arith.muli %scan3A_44, %mul3A_45 : i32
      %multiple_of3A = tpu.assume_multiple %mul3A_46, 16 : i32
      %get3A = arith.index_cast %multiple_of3A : i32 to index
      %get3A_47 = tpu.vector_load %arg10[%get3A] {strides = array<i32>} : memref<16688xf32, #tpu.memory_space<vmem>>, vector<16xf32>,
      %get3A_48 = arith.index_cast %multiple_of3A : i32 to index
      %get3A_49 = tpu.vector_load %arg9[%get3A_48] {strides = array<i32>} : memref<16688xf32, #tpu.memory_space<vmem>>, vector<16xf32>,
      %mul3A_50 = arith.mulf %get3A_47, %get3A_49 : vector<16xf32>
      %swap3A_51 = arith.index_cast %multiple_of3A : i32 to index
      %swap3A_52 = tpu.vector_load %arg10[%swap3A_51] {strides = array<i32>} : memref<16688xf32, #tpu.memory_space<vmem>>, vector<16xf32>,
      tpu.vector_store %arg10[%swap3A_51], %mul3A_50 {strides = array<i32>} : memref<16688xf32, #tpu.memory_space<vmem>>, vector<16xf32>,
    }
    %scan3A_35 = arith.constant 1043 : i32
    "tpu.region"() ({
      %run_scoped3A = tpu.sem_alloc : memref<!tpu.dma_semaphore, #tpu.memory_space<semaphore_mem>>
      %dma_start3A_44 = arith.constant 0 : i32
      %dma_start3A_45 = tpu.memref_slice %arg13[%dma_start3A_44] : memref<51200xf32, #tpu.memory_space<vmem_shared>> -> memref<51200xf32, #tpu.memory_space<vmem_shared>>
      tpu.enqueue_indirect_dma source(%arg10 : memref<16688xf32, #tpu.memory_space<vmem>>) target(%dma_start3A_45 : memref<51200xf32, #tpu.memory_space<vmem_shared>>) offsets(%arg8 : memref<16688xi32, #tpu.memory_space<vmem>>) semaphore(%run_scoped3A : memref<!tpu.dma_semaphore, #tpu.memory_space<semaphore_mem>>) {add = true}
      %dma_wait3A_46 = arith.constant 0 : i32
      %dma_wait3A_47 = tpu.memref_slice %arg13[%dma_wait3A_46] : memref<51200xf32, #tpu.memory_space<vmem_shared>> -> memref<51200xf32, #tpu.memory_space<vmem_shared>>
      tpu.wait_indirect_dma semaphore(%run_scoped3A : memref<!tpu.dma_semaphore, #tpu.memory_space<semaphore_mem>>) src(%arg10 : memref<16688xf32, #tpu.memory_space<vmem>>) dst(%dma_wait3A_47 : memref<51200xf32, #tpu.memory_space<vmem_shared>>)
      tpu.yield
    }) : () -> ()
    %barrier3A_36 = arith.constant 0 : index
    tpu.barrier barrier_id(%barrier3A_36)
    %mul3A_37 = arith.constant 3200 : i32
    %mul3A_38 = arith.muli %arg1, %mul3A_37 : i32
    "tpu.region"() ({
      %run_scoped3A = tpu.sem_alloc : memref<!tpu.dma_semaphore, #tpu.memory_space<semaphore_mem>>
      %dma_start3A_44 = tpu.memref_slice %arg13[%mul3A_38] : memref<51200xf32, #tpu.memory_space<vmem_shared>> -> memref<3200xf32, #tpu.memory_space<vmem_shared>>
      %dma_start3A_45 = tpu.memref_slice %arg13[%mul3A_38] : memref<51200xf32, #tpu.memory_space<vmem_shared>> -> memref<3200xf32, #tpu.memory_space<vmem_shared>>
      tpu.enqueue_dma source(%dma_start3A_45 : memref<3200xf32, #tpu.memory_space<vmem_shared>>) target(%arg11 : memref<3200xf32, #tpu.memory_space<vmem>>) target_semaphore(%run_scoped3A : memref<!tpu.dma_semaphore, #tpu.memory_space<semaphore_mem>>)
      %dma_wait3A_46 = tpu.memref_slice %arg13[%mul3A_38] : memref<51200xf32, #tpu.memory_space<vmem_shared>> -> memref<3200xf32, #tpu.memory_space<vmem_shared>>
      %dma_wait3A_47 = tpu.memref_slice %arg13[%mul3A_38] : memref<51200xf32, #tpu.memory_space<vmem_shared>> -> memref<3200xf32, #tpu.memory_space<vmem_shared>>
      tpu.wait_dma2 semaphore(%run_scoped3A : memref<!tpu.dma_semaphore, #tpu.memory_space<semaphore_mem>>) src(%dma_wait3A_47 : memref<3200xf32, #tpu.memory_space<vmem_shared>>) dst(%arg11 : memref<3200xf32, #tpu.memory_space<vmem>>)
      tpu.yield
    }) : () -> ()
    %mul3A_39 = arith.constant 51200 : i32
    %mul3A_40 = arith.muli %arg0, %mul3A_39 : i32
    %mul3A_41 = arith.constant 3200 : i32
    %mul3A_42 = arith.muli %arg1, %mul3A_41 : i32
    %add3A_43 = arith.addi %mul3A_40, %mul3A_42 : i32
    "tpu.region"() ({
      %run_scoped3A = tpu.sem_alloc : memref<!tpu.dma_semaphore, #tpu.memory_space<semaphore_mem>>
      %dma_start3A_44 = tpu.memref_slice %arg6[%add3A_43] : memref<102400xf32, #tpu.memory_space<hbm>> -> memref<3200xf32, #tpu.memory_space<hbm>>
      %dma_start3A_45 = tpu.memref_slice %arg6[%add3A_43] : memref<102400xf32, #tpu.memory_space<hbm>> -> memref<3200xf32, #tpu.memory_space<hbm>>
      tpu.enqueue_dma source(%arg11 : memref<3200xf32, #tpu.memory_space<vmem>>) target(%dma_start3A_45 : memref<3200xf32, #tpu.memory_space<hbm>>) target_semaphore(%run_scoped3A : memref<!tpu.dma_semaphore, #tpu.memory_space<semaphore_mem>>)
      %dma_wait3A_46 = tpu.memref_slice %arg6[%add3A_43] : memref<102400xf32, #tpu.memory_space<hbm>> -> memref<3200xf32, #tpu.memory_space<hbm>>
      %dma_wait3A_47 = tpu.memref_slice %arg6[%add3A_43] : memref<102400xf32, #tpu.memory_space<hbm>> -> memref<3200xf32, #tpu.memory_space<hbm>>
      tpu.wait_dma2 semaphore(%run_scoped3A : memref<!tpu.dma_semaphore, #tpu.memory_space<semaphore_mem>>) src(%arg11 : memref<3200xf32, #tpu.memory_space<vmem>>) dst(%dma_wait3A_47 : memref<3200xf32, #tpu.memory_space<hbm>>)
      tpu.yield
    }) : () -> ()
    return
  }
}

#map = affine_map<(d0, d1) -> (0)>
module attributes {stable_mosaic.version = 14 : i64} {
  func.func @_seg_body(%arg0: i32, %arg1: i32, %arg2: memref<533504xi32, #tpu.memory_space<hbm>>, %arg3: memref<533504xi32, #tpu.memory_space<hbm>>, %arg4: memref<533504xf32, #tpu.memory_space<hbm>>, %arg5: memref<250880xf32, #tpu.memory_space<hbm>>, %arg6: memref<102400xf32, #tpu.memory_space<hbm>>, %arg7: memref<16688xi32, #tpu.memory_space<vmem>>, %arg8: memref<16688xi32, #tpu.memory_space<vmem>>, %arg9: memref<16688xf32, #tpu.memory_space<vmem>>, %arg10: memref<16688xf32, #tpu.memory_space<vmem>>, %arg11: memref<3200xf32, #tpu.memory_space<vmem>>, %arg12: memref<250880xf32, #tpu.memory_space<vmem_shared>>, %arg13: memref<51200xf32, #tpu.memory_space<vmem_shared>>, %arg14: memref<!tpu.dma_semaphore, #tpu.memory_space<semaphore_mem>>) attributes {dimension_semantics = [#tpu.dimension_semantics<core_parallel>, #tpu.dimension_semantics<subcore_parallel>], iteration_bounds = array<i64: 2, 16>, scalar_prefetch = 0 : i64, scratch_operands = 8 : i64, tpu.core_type = #tpu.core_type<sc_vector_subcore>, window_params = [{transform_indices = #map}, {transform_indices = #map}, {transform_indices = #map}, {transform_indices = #map}, {transform_indices = #map}]} {
    %mul3A = arith.constant 2 : i32
    %mul3A_0 = arith.muli %arg1, %mul3A : i32
    %add3A = arith.addi %mul3A_0, %arg0 : i32
    %mul3A_1 = arith.constant 15680 : i32
    %mul3A_2 = arith.muli %arg1, %mul3A_1 : i32
    %add3A_3 = arith.constant 0 : i32
    %add3A_4 = arith.addi %mul3A_2, %add3A_3 : i32
    "tpu.region"() ({
      %run_scoped3A = tpu.sem_alloc : memref<!tpu.dma_semaphore, #tpu.memory_space<semaphore_mem>>
      %dma_start3A_44 = arith.constant 0 : i32
      %dma_start3A_45 = tpu.memref_slice %arg10[%dma_start3A_44] : memref<16688xf32, #tpu.memory_space<vmem>> -> memref<7840xf32, #tpu.memory_space<vmem>>
      %dma_start3A_46 = tpu.memref_slice %arg5[%add3A_4] : memref<250880xf32, #tpu.memory_space<hbm>> -> memref<7840xf32, #tpu.memory_space<hbm>>
      %dma_start3A_47 = arith.constant 0 : i32
      %dma_start3A_48 = tpu.memref_slice %arg10[%dma_start3A_47] : memref<16688xf32, #tpu.memory_space<vmem>> -> memref<7840xf32, #tpu.memory_space<vmem>>
      %dma_start3A_49 = tpu.memref_slice %arg5[%add3A_4] : memref<250880xf32, #tpu.memory_space<hbm>> -> memref<7840xf32, #tpu.memory_space<hbm>>
      tpu.enqueue_dma source(%dma_start3A_49 : memref<7840xf32, #tpu.memory_space<hbm>>) target(%dma_start3A_48 : memref<7840xf32, #tpu.memory_space<vmem>>) target_semaphore(%run_scoped3A : memref<!tpu.dma_semaphore, #tpu.memory_space<semaphore_mem>>)
      %dma_wait3A_50 = arith.constant 0 : i32
      %dma_wait3A_51 = tpu.memref_slice %arg10[%dma_wait3A_50] : memref<16688xf32, #tpu.memory_space<vmem>> -> memref<7840xf32, #tpu.memory_space<vmem>>
      %dma_wait3A_52 = tpu.memref_slice %arg5[%add3A_4] : memref<250880xf32, #tpu.memory_space<hbm>> -> memref<7840xf32, #tpu.memory_space<hbm>>
      %dma_wait3A_53 = arith.constant 0 : i32
      %dma_wait3A_54 = tpu.memref_slice %arg10[%dma_wait3A_53] : memref<16688xf32, #tpu.memory_space<vmem>> -> memref<7840xf32, #tpu.memory_space<vmem>>
      %dma_wait3A_55 = tpu.memref_slice %arg5[%add3A_4] : memref<250880xf32, #tpu.memory_space<hbm>> -> memref<7840xf32, #tpu.memory_space<hbm>>
      tpu.wait_dma2 semaphore(%run_scoped3A : memref<!tpu.dma_semaphore, #tpu.memory_space<semaphore_mem>>) src(%dma_wait3A_55 : memref<7840xf32, #tpu.memory_space<hbm>>) dst(%dma_wait3A_54 : memref<7840xf32, #tpu.memory_space<vmem>>)
      tpu.yield
    }) : () -> ()
    "tpu.region"() ({
      %run_scoped3A = tpu.sem_alloc : memref<!tpu.dma_semaphore, #tpu.memory_space<semaphore_mem>>
      %dma_start3A_44 = arith.constant 0 : i32
      %dma_start3A_45 = tpu.memref_slice %arg10[%dma_start3A_44] : memref<16688xf32, #tpu.memory_space<vmem>> -> memref<7840xf32, #tpu.memory_space<vmem>>
      %dma_start3A_46 = tpu.memref_slice %arg12[%add3A_4] : memref<250880xf32, #tpu.memory_space<vmem_shared>> -> memref<7840xf32, #tpu.memory_space<vmem_shared>>
      %dma_start3A_47 = tpu.memref_slice %arg12[%add3A_4] : memref<250880xf32, #tpu.memory_space<vmem_shared>> -> memref<7840xf32, #tpu.memory_space<vmem_shared>>
      %dma_start3A_48 = arith.constant 0 : i32
      %dma_start3A_49 = tpu.memref_slice %arg10[%dma_start3A_48] : memref<16688xf32, #tpu.memory_space<vmem>> -> memref<7840xf32, #tpu.memory_space<vmem>>
      tpu.enqueue_dma source(%dma_start3A_49 : memref<7840xf32, #tpu.memory_space<vmem>>) target(%dma_start3A_47 : memref<7840xf32, #tpu.memory_space<vmem_shared>>) target_semaphore(%run_scoped3A : memref<!tpu.dma_semaphore, #tpu.memory_space<semaphore_mem>>)
      %dma_wait3A_50 = arith.constant 0 : i32
      %dma_wait3A_51 = tpu.memref_slice %arg10[%dma_wait3A_50] : memref<16688xf32, #tpu.memory_space<vmem>> -> memref<7840xf32, #tpu.memory_space<vmem>>
      %dma_wait3A_52 = tpu.memref_slice %arg12[%add3A_4] : memref<250880xf32, #tpu.memory_space<vmem_shared>> -> memref<7840xf32, #tpu.memory_space<vmem_shared>>
      %dma_wait3A_53 = tpu.memref_slice %arg12[%add3A_4] : memref<250880xf32, #tpu.memory_space<vmem_shared>> -> memref<7840xf32, #tpu.memory_space<vmem_shared>>
      %dma_wait3A_54 = arith.constant 0 : i32
      %dma_wait3A_55 = tpu.memref_slice %arg10[%dma_wait3A_54] : memref<16688xf32, #tpu.memory_space<vmem>> -> memref<7840xf32, #tpu.memory_space<vmem>>
      tpu.wait_dma2 semaphore(%run_scoped3A : memref<!tpu.dma_semaphore, #tpu.memory_space<semaphore_mem>>) src(%dma_wait3A_55 : memref<7840xf32, #tpu.memory_space<vmem>>) dst(%dma_wait3A_53 : memref<7840xf32, #tpu.memory_space<vmem_shared>>)
      tpu.yield
    }) : () -> ()
    %mul3A_5 = arith.constant 15680 : i32
    %mul3A_6 = arith.muli %arg1, %mul3A_5 : i32
    %add3A_7 = arith.constant 7840 : i32
    %add3A_8 = arith.addi %mul3A_6, %add3A_7 : i32
    "tpu.region"() ({
      %run_scoped3A = tpu.sem_alloc : memref<!tpu.dma_semaphore, #tpu.memory_space<semaphore_mem>>
      %dma_start3A_44 = arith.constant 0 : i32
      %dma_start3A_45 = tpu.memref_slice %arg10[%dma_start3A_44] : memref<16688xf32, #tpu.memory_space<vmem>> -> memref<7840xf32, #tpu.memory_space<vmem>>
      %dma_start3A_46 = tpu.memref_slice %arg5[%add3A_8] : memref<250880xf32, #tpu.memory_space<hbm>> -> memref<7840xf32, #tpu.memory_space<hbm>>
      %dma_start3A_47 = arith.constant 0 : i32
      %dma_start3A_48 = tpu.memref_slice %arg10[%dma_start3A_47] : memref<16688xf32, #tpu.memory_space<vmem>> -> memref<7840xf32, #tpu.memory_space<vmem>>
      %dma_start3A_49 = tpu.memref_slice %arg5[%add3A_8] : memref<250880xf32, #tpu.memory_space<hbm>> -> memref<7840xf32, #tpu.memory_space<hbm>>
      tpu.enqueue_dma source(%dma_start3A_49 : memref<7840xf32, #tpu.memory_space<hbm>>) target(%dma_start3A_48 : memref<7840xf32, #tpu.memory_space<vmem>>) target_semaphore(%run_scoped3A : memref<!tpu.dma_semaphore, #tpu.memory_space<semaphore_mem>>)
      %dma_wait3A_50 = arith.constant 0 : i32
      %dma_wait3A_51 = tpu.memref_slice %arg10[%dma_wait3A_50] : memref<16688xf32, #tpu.memory_space<vmem>> -> memref<7840xf32, #tpu.memory_space<vmem>>
      %dma_wait3A_52 = tpu.memref_slice %arg5[%add3A_8] : memref<250880xf32, #tpu.memory_space<hbm>> -> memref<7840xf32, #tpu.memory_space<hbm>>
      %dma_wait3A_53 = arith.constant 0 : i32
      %dma_wait3A_54 = tpu.memref_slice %arg10[%dma_wait3A_53] : memref<16688xf32, #tpu.memory_space<vmem>> -> memref<7840xf32, #tpu.memory_space<vmem>>
      %dma_wait3A_55 = tpu.memref_slice %arg5[%add3A_8] : memref<250880xf32, #tpu.memory_space<hbm>> -> memref<7840xf32, #tpu.memory_space<hbm>>
      tpu.wait_dma2 semaphore(%run_scoped3A : memref<!tpu.dma_semaphore, #tpu.memory_space<semaphore_mem>>) src(%dma_wait3A_55 : memref<7840xf32, #tpu.memory_space<hbm>>) dst(%dma_wait3A_54 : memref<7840xf32, #tpu.memory_space<vmem>>)
      tpu.yield
    }) : () -> ()
    "tpu.region"() ({
      %run_scoped3A = tpu.sem_alloc : memref<!tpu.dma_semaphore, #tpu.memory_space<semaphore_mem>>
      %dma_start3A_44 = arith.constant 0 : i32
      %dma_start3A_45 = tpu.memref_slice %arg10[%dma_start3A_44] : memref<16688xf32, #tpu.memory_space<vmem>> -> memref<7840xf32, #tpu.memory_space<vmem>>
      %dma_start3A_46 = tpu.memref_slice %arg12[%add3A_8] : memref<250880xf32, #tpu.memory_space<vmem_shared>> -> memref<7840xf32, #tpu.memory_space<vmem_shared>>
      %dma_start3A_47 = tpu.memref_slice %arg12[%add3A_8] : memref<250880xf32, #tpu.memory_space<vmem_shared>> -> memref<7840xf32, #tpu.memory_space<vmem_shared>>
      %dma_start3A_48 = arith.constant 0 : i32
      %dma_start3A_49 = tpu.memref_slice %arg10[%dma_start3A_48] : memref<16688xf32, #tpu.memory_space<vmem>> -> memref<7840xf32, #tpu.memory_space<vmem>>
      tpu.enqueue_dma source(%dma_start3A_49 : memref<7840xf32, #tpu.memory_space<vmem>>) target(%dma_start3A_47 : memref<7840xf32, #tpu.memory_space<vmem_shared>>) target_semaphore(%run_scoped3A : memref<!tpu.dma_semaphore, #tpu.memory_space<semaphore_mem>>)
      %dma_wait3A_50 = arith.constant 0 : i32
      %dma_wait3A_51 = tpu.memref_slice %arg10[%dma_wait3A_50] : memref<16688xf32, #tpu.memory_space<vmem>> -> memref<7840xf32, #tpu.memory_space<vmem>>
      %dma_wait3A_52 = tpu.memref_slice %arg12[%add3A_8] : memref<250880xf32, #tpu.memory_space<vmem_shared>> -> memref<7840xf32, #tpu.memory_space<vmem_shared>>
      %dma_wait3A_53 = tpu.memref_slice %arg12[%add3A_8] : memref<250880xf32, #tpu.memory_space<vmem_shared>> -> memref<7840xf32, #tpu.memory_space<vmem_shared>>
      %dma_wait3A_54 = arith.constant 0 : i32
      %dma_wait3A_55 = tpu.memref_slice %arg10[%dma_wait3A_54] : memref<16688xf32, #tpu.memory_space<vmem>> -> memref<7840xf32, #tpu.memory_space<vmem>>
      tpu.wait_dma2 semaphore(%run_scoped3A : memref<!tpu.dma_semaphore, #tpu.memory_space<semaphore_mem>>) src(%dma_wait3A_55 : memref<7840xf32, #tpu.memory_space<vmem>>) dst(%dma_wait3A_53 : memref<7840xf32, #tpu.memory_space<vmem_shared>>)
      tpu.yield
    }) : () -> ()
    %scan3A = arith.constant 0 : i32
    %scan3A_9 = arith.constant 0 : i32
    %scan3A_10 = arith.constant 200 : i32
    %scan3A_11 = arith.addi %scan3A_9, %scan3A_10 : i32
    %scan3A_12 = arith.constant 1 : i32
    scf.for %scan3A_44 = %scan3A_9 to %scan3A_11 step %scan3A_12  : i32 {
      %broadcast_in_dim3A_45 = arith.constant 0.000000e+00 : f32
      %broadcast_in_dim3A_46 = vector.broadcast %broadcast_in_dim3A_45 : f32 to vector<16xf32>
      %mul3A_47 = arith.constant 16 : i32
      %mul3A_48 = arith.muli %scan3A_44, %mul3A_47 : i32
      %multiple_of3A = tpu.assume_multiple %mul3A_48, 16 : i32
      %swap3A_49 = arith.index_cast %multiple_of3A : i32 to index
      %swap3A_50 = tpu.vector_load %arg11[%swap3A_49] {strides = array<i32>} : memref<3200xf32, #tpu.memory_space<vmem>>, vector<16xf32>,
      tpu.vector_store %arg11[%swap3A_49], %broadcast_in_dim3A_46 {strides = array<i32>} : memref<3200xf32, #tpu.memory_space<vmem>>, vector<16xf32>,
    }
    %scan3A_13 = arith.constant 200 : i32
    %mul3A_14 = arith.constant 3200 : i32
    %mul3A_15 = arith.muli %arg1, %mul3A_14 : i32
    "tpu.region"() ({
      %run_scoped3A = tpu.sem_alloc : memref<!tpu.dma_semaphore, #tpu.memory_space<semaphore_mem>>
      %dma_start3A_44 = tpu.memref_slice %arg13[%mul3A_15] : memref<51200xf32, #tpu.memory_space<vmem_shared>> -> memref<3200xf32, #tpu.memory_space<vmem_shared>>
      %dma_start3A_45 = tpu.memref_slice %arg13[%mul3A_15] : memref<51200xf32, #tpu.memory_space<vmem_shared>> -> memref<3200xf32, #tpu.memory_space<vmem_shared>>
      tpu.enqueue_dma source(%arg11 : memref<3200xf32, #tpu.memory_space<vmem>>) target(%dma_start3A_45 : memref<3200xf32, #tpu.memory_space<vmem_shared>>) target_semaphore(%run_scoped3A : memref<!tpu.dma_semaphore, #tpu.memory_space<semaphore_mem>>)
      %dma_wait3A_46 = tpu.memref_slice %arg13[%mul3A_15] : memref<51200xf32, #tpu.memory_space<vmem_shared>> -> memref<3200xf32, #tpu.memory_space<vmem_shared>>
      %dma_wait3A_47 = tpu.memref_slice %arg13[%mul3A_15] : memref<51200xf32, #tpu.memory_space<vmem_shared>> -> memref<3200xf32, #tpu.memory_space<vmem_shared>>
      tpu.wait_dma2 semaphore(%run_scoped3A : memref<!tpu.dma_semaphore, #tpu.memory_space<semaphore_mem>>) src(%arg11 : memref<3200xf32, #tpu.memory_space<vmem>>) dst(%dma_wait3A_47 : memref<3200xf32, #tpu.memory_space<vmem_shared>>)
      tpu.yield
    }) : () -> ()
    %broadcast_in_dim3A = arith.constant 0 : i32
    %broadcast_in_dim3A_16 = vector.broadcast %broadcast_in_dim3A : i32 to vector<16xi32>
    %swap3A = arith.constant 16672 : index
    %swap3A_17 = tpu.vector_load %arg7[%swap3A] {strides = array<i32>} : memref<16688xi32, #tpu.memory_space<vmem>>, vector<16xi32>,
    tpu.vector_store %arg7[%swap3A], %broadcast_in_dim3A_16 {strides = array<i32>} : memref<16688xi32, #tpu.memory_space<vmem>>, vector<16xi32>,
    %swap3A_18 = arith.constant 16672 : index
    %swap3A_19 = tpu.vector_load %arg8[%swap3A_18] {strides = array<i32>} : memref<16688xi32, #tpu.memory_space<vmem>>, vector<16xi32>,
    tpu.vector_store %arg8[%swap3A_18], %broadcast_in_dim3A_16 {strides = array<i32>} : memref<16688xi32, #tpu.memory_space<vmem>>, vector<16xi32>,
    %broadcast_in_dim3A_20 = arith.constant 0.000000e+00 : f32
    %broadcast_in_dim3A_21 = vector.broadcast %broadcast_in_dim3A_20 : f32 to vector<16xf32>
    %swap3A_22 = arith.constant 16672 : index
    %swap3A_23 = tpu.vector_load %arg9[%swap3A_22] {strides = array<i32>} : memref<16688xf32, #tpu.memory_space<vmem>>, vector<16xf32>,
    tpu.vector_store %arg9[%swap3A_22], %broadcast_in_dim3A_21 {strides = array<i32>} : memref<16688xf32, #tpu.memory_space<vmem>>, vector<16xf32>,
    %barrier3A = arith.constant 0 : index
    tpu.barrier barrier_id(%barrier3A)
    %mul3A_24 = arith.constant 16672 : i32
    %mul3A_25 = arith.muli %add3A, %mul3A_24 : i32
    %add3A_26 = arith.constant 0 : i32
    %add3A_27 = arith.addi %mul3A_25, %add3A_26 : i32
    "tpu.region"() ({
      %run_scoped3A = tpu.sem_alloc : memref<!tpu.dma_semaphore, #tpu.memory_space<semaphore_mem>>
      %dma_start3A_44 = arith.constant 0 : i32
      %dma_start3A_45 = tpu.memref_slice %arg7[%dma_start3A_44] : memref<16688xi32, #tpu.memory_space<vmem>> -> memref<16672xi32, #tpu.memory_space<vmem>>
      %dma_start3A_46 = tpu.memref_slice %arg2[%add3A_27] : memref<533504xi32, #tpu.memory_space<hbm>> -> memref<16672xi32, #tpu.memory_space<hbm>>
      %dma_start3A_47 = arith.constant 0 : i32
      %dma_start3A_48 = tpu.memref_slice %arg7[%dma_start3A_47] : memref<16688xi32, #tpu.memory_space<vmem>> -> memref<16672xi32, #tpu.memory_space<vmem>>
      %dma_start3A_49 = tpu.memref_slice %arg2[%add3A_27] : memref<533504xi32, #tpu.memory_space<hbm>> -> memref<16672xi32, #tpu.memory_space<hbm>>
      tpu.enqueue_dma source(%dma_start3A_49 : memref<16672xi32, #tpu.memory_space<hbm>>) target(%dma_start3A_48 : memref<16672xi32, #tpu.memory_space<vmem>>) target_semaphore(%run_scoped3A : memref<!tpu.dma_semaphore, #tpu.memory_space<semaphore_mem>>)
      %dma_wait3A_50 = arith.constant 0 : i32
      %dma_wait3A_51 = tpu.memref_slice %arg7[%dma_wait3A_50] : memref<16688xi32, #tpu.memory_space<vmem>> -> memref<16672xi32, #tpu.memory_space<vmem>>
      %dma_wait3A_52 = tpu.memref_slice %arg2[%add3A_27] : memref<533504xi32, #tpu.memory_space<hbm>> -> memref<16672xi32, #tpu.memory_space<hbm>>
      %dma_wait3A_53 = arith.constant 0 : i32
      %dma_wait3A_54 = tpu.memref_slice %arg7[%dma_wait3A_53] : memref<16688xi32, #tpu.memory_space<vmem>> -> memref<16672xi32, #tpu.memory_space<vmem>>
      %dma_wait3A_55 = tpu.memref_slice %arg2[%add3A_27] : memref<533504xi32, #tpu.memory_space<hbm>> -> memref<16672xi32, #tpu.memory_space<hbm>>
      tpu.wait_dma2 semaphore(%run_scoped3A : memref<!tpu.dma_semaphore, #tpu.memory_space<semaphore_mem>>) src(%dma_wait3A_55 : memref<16672xi32, #tpu.memory_space<hbm>>) dst(%dma_wait3A_54 : memref<16672xi32, #tpu.memory_space<vmem>>)
      tpu.yield
    }) : () -> ()
    "tpu.region"() ({
      %run_scoped3A = tpu.sem_alloc : memref<!tpu.dma_semaphore, #tpu.memory_space<semaphore_mem>>
      %dma_start3A_44 = arith.constant 0 : i32
      %dma_start3A_45 = tpu.memref_slice %arg8[%dma_start3A_44] : memref<16688xi32, #tpu.memory_space<vmem>> -> memref<16672xi32, #tpu.memory_space<vmem>>
      %dma_start3A_46 = tpu.memref_slice %arg3[%add3A_27] : memref<533504xi32, #tpu.memory_space<hbm>> -> memref<16672xi32, #tpu.memory_space<hbm>>
      %dma_start3A_47 = arith.constant 0 : i32
      %dma_start3A_48 = tpu.memref_slice %arg8[%dma_start3A_47] : memref<16688xi32, #tpu.memory_space<vmem>> -> memref<16672xi32, #tpu.memory_space<vmem>>
      %dma_start3A_49 = tpu.memref_slice %arg3[%add3A_27] : memref<533504xi32, #tpu.memory_space<hbm>> -> memref<16672xi32, #tpu.memory_space<hbm>>
      tpu.enqueue_dma source(%dma_start3A_49 : memref<16672xi32, #tpu.memory_space<hbm>>) target(%dma_start3A_48 : memref<16672xi32, #tpu.memory_space<vmem>>) target_semaphore(%run_scoped3A : memref<!tpu.dma_semaphore, #tpu.memory_space<semaphore_mem>>)
      %dma_wait3A_50 = arith.constant 0 : i32
      %dma_wait3A_51 = tpu.memref_slice %arg8[%dma_wait3A_50] : memref<16688xi32, #tpu.memory_space<vmem>> -> memref<16672xi32, #tpu.memory_space<vmem>>
      %dma_wait3A_52 = tpu.memref_slice %arg3[%add3A_27] : memref<533504xi32, #tpu.memory_space<hbm>> -> memref<16672xi32, #tpu.memory_space<hbm>>
      %dma_wait3A_53 = arith.constant 0 : i32
      %dma_wait3A_54 = tpu.memref_slice %arg8[%dma_wait3A_53] : memref<16688xi32, #tpu.memory_space<vmem>> -> memref<16672xi32, #tpu.memory_space<vmem>>
      %dma_wait3A_55 = tpu.memref_slice %arg3[%add3A_27] : memref<533504xi32, #tpu.memory_space<hbm>> -> memref<16672xi32, #tpu.memory_space<hbm>>
      tpu.wait_dma2 semaphore(%run_scoped3A : memref<!tpu.dma_semaphore, #tpu.memory_space<semaphore_mem>>) src(%dma_wait3A_55 : memref<16672xi32, #tpu.memory_space<hbm>>) dst(%dma_wait3A_54 : memref<16672xi32, #tpu.memory_space<vmem>>)
      tpu.yield
    }) : () -> ()
    "tpu.region"() ({
      %run_scoped3A = tpu.sem_alloc : memref<!tpu.dma_semaphore, #tpu.memory_space<semaphore_mem>>
      %dma_start3A_44 = arith.constant 0 : i32
      %dma_start3A_45 = tpu.memref_slice %arg9[%dma_start3A_44] : memref<16688xf32, #tpu.memory_space<vmem>> -> memref<16672xf32, #tpu.memory_space<vmem>>
      %dma_start3A_46 = tpu.memref_slice %arg4[%add3A_27] : memref<533504xf32, #tpu.memory_space<hbm>> -> memref<16672xf32, #tpu.memory_space<hbm>>
      %dma_start3A_47 = arith.constant 0 : i32
      %dma_start3A_48 = tpu.memref_slice %arg9[%dma_start3A_47] : memref<16688xf32, #tpu.memory_space<vmem>> -> memref<16672xf32, #tpu.memory_space<vmem>>
      %dma_start3A_49 = tpu.memref_slice %arg4[%add3A_27] : memref<533504xf32, #tpu.memory_space<hbm>> -> memref<16672xf32, #tpu.memory_space<hbm>>
      tpu.enqueue_dma source(%dma_start3A_49 : memref<16672xf32, #tpu.memory_space<hbm>>) target(%dma_start3A_48 : memref<16672xf32, #tpu.memory_space<vmem>>) target_semaphore(%run_scoped3A : memref<!tpu.dma_semaphore, #tpu.memory_space<semaphore_mem>>)
      %dma_wait3A_50 = arith.constant 0 : i32
      %dma_wait3A_51 = tpu.memref_slice %arg9[%dma_wait3A_50] : memref<16688xf32, #tpu.memory_space<vmem>> -> memref<16672xf32, #tpu.memory_space<vmem>>
      %dma_wait3A_52 = tpu.memref_slice %arg4[%add3A_27] : memref<533504xf32, #tpu.memory_space<hbm>> -> memref<16672xf32, #tpu.memory_space<hbm>>
      %dma_wait3A_53 = arith.constant 0 : i32
      %dma_wait3A_54 = tpu.memref_slice %arg9[%dma_wait3A_53] : memref<16688xf32, #tpu.memory_space<vmem>> -> memref<16672xf32, #tpu.memory_space<vmem>>
      %dma_wait3A_55 = tpu.memref_slice %arg4[%add3A_27] : memref<533504xf32, #tpu.memory_space<hbm>> -> memref<16672xf32, #tpu.memory_space<hbm>>
      tpu.wait_dma2 semaphore(%run_scoped3A : memref<!tpu.dma_semaphore, #tpu.memory_space<semaphore_mem>>) src(%dma_wait3A_55 : memref<16672xf32, #tpu.memory_space<hbm>>) dst(%dma_wait3A_54 : memref<16672xf32, #tpu.memory_space<vmem>>)
      tpu.yield
    }) : () -> ()
    %dma_start3A = arith.constant 0 : i32
    %dma_start3A_28 = tpu.memref_slice %arg12[%dma_start3A] : memref<250880xf32, #tpu.memory_space<vmem_shared>> -> memref<250880xf32, #tpu.memory_space<vmem_shared>>
    tpu.enqueue_indirect_dma source(%dma_start3A_28 : memref<250880xf32, #tpu.memory_space<vmem_shared>>) target(%arg10 : memref<16688xf32, #tpu.memory_space<vmem>>) offsets(%arg7 : memref<16688xi32, #tpu.memory_space<vmem>>) semaphore(%arg14 : memref<!tpu.dma_semaphore, #tpu.memory_space<semaphore_mem>>)
    %dma_wait3A = arith.constant 0 : i32
    %dma_wait3A_29 = tpu.memref_slice %arg12[%dma_wait3A] : memref<250880xf32, #tpu.memory_space<vmem_shared>> -> memref<250880xf32, #tpu.memory_space<vmem_shared>>
    tpu.wait_indirect_dma semaphore(%arg14 : memref<!tpu.dma_semaphore, #tpu.memory_space<semaphore_mem>>) src(%dma_wait3A_29 : memref<250880xf32, #tpu.memory_space<vmem_shared>>) dst(%arg10 : memref<16688xf32, #tpu.memory_space<vmem>>)
    %scan3A_30 = arith.constant 0 : i32
    %scan3A_31 = arith.constant 0 : i32
    %scan3A_32 = arith.constant 1043 : i32
    %scan3A_33 = arith.addi %scan3A_31, %scan3A_32 : i32
    %scan3A_34 = arith.constant 1 : i32
    scf.for %scan3A_44 = %scan3A_31 to %scan3A_33 step %scan3A_34  : i32 {
      %mul3A_45 = arith.constant 16 : i32
      %mul3A_46 = arith.muli %scan3A_44, %mul3A_45 : i32
      %multiple_of3A = tpu.assume_multiple %mul3A_46, 16 : i32
      %get3A = arith.index_cast %multiple_of3A : i32 to index
      %get3A_47 = tpu.vector_load %arg10[%get3A] {strides = array<i32>} : memref<16688xf32, #tpu.memory_space<vmem>>, vector<16xf32>,
      %get3A_48 = arith.index_cast %multiple_of3A : i32 to index
      %get3A_49 = tpu.vector_load %arg9[%get3A_48] {strides = array<i32>} : memref<16688xf32, #tpu.memory_space<vmem>>, vector<16xf32>,
      %mul3A_50 = arith.mulf %get3A_47, %get3A_49 : vector<16xf32>
      %swap3A_51 = arith.index_cast %multiple_of3A : i32 to index
      %swap3A_52 = tpu.vector_load %arg10[%swap3A_51] {strides = array<i32>} : memref<16688xf32, #tpu.memory_space<vmem>>, vector<16xf32>,
      tpu.vector_store %arg10[%swap3A_51], %mul3A_50 {strides = array<i32>} : memref<16688xf32, #tpu.memory_space<vmem>>, vector<16xf32>,
    }
    %scan3A_35 = arith.constant 1043 : i32
    "tpu.region"() ({
      %run_scoped3A = tpu.sem_alloc : memref<!tpu.dma_semaphore, #tpu.memory_space<semaphore_mem>>
      %dma_start3A_44 = arith.constant 0 : i32
      %dma_start3A_45 = tpu.memref_slice %arg13[%dma_start3A_44] : memref<51200xf32, #tpu.memory_space<vmem_shared>> -> memref<51200xf32, #tpu.memory_space<vmem_shared>>
      tpu.enqueue_indirect_dma source(%arg10 : memref<16688xf32, #tpu.memory_space<vmem>>) target(%dma_start3A_45 : memref<51200xf32, #tpu.memory_space<vmem_shared>>) offsets(%arg8 : memref<16688xi32, #tpu.memory_space<vmem>>) semaphore(%run_scoped3A : memref<!tpu.dma_semaphore, #tpu.memory_space<semaphore_mem>>) {add = true}
      %dma_wait3A_46 = arith.constant 0 : i32
      %dma_wait3A_47 = tpu.memref_slice %arg13[%dma_wait3A_46] : memref<51200xf32, #tpu.memory_space<vmem_shared>> -> memref<51200xf32, #tpu.memory_space<vmem_shared>>
      tpu.wait_indirect_dma semaphore(%run_scoped3A : memref<!tpu.dma_semaphore, #tpu.memory_space<semaphore_mem>>) src(%arg10 : memref<16688xf32, #tpu.memory_space<vmem>>) dst(%dma_wait3A_47 : memref<51200xf32, #tpu.memory_space<vmem_shared>>)
      tpu.yield
    }) : () -> ()
    %barrier3A_36 = arith.constant 0 : index
    tpu.barrier barrier_id(%barrier3A_36)
    %mul3A_37 = arith.constant 3200 : i32
    %mul3A_38 = arith.muli %arg1, %mul3A_37 : i32
    "tpu.region"() ({
      %run_scoped3A = tpu.sem_alloc : memref<!tpu.dma_semaphore, #tpu.memory_space<semaphore_mem>>
      %dma_start3A_44 = tpu.memref_slice %arg13[%mul3A_38] : memref<51200xf32, #tpu.memory_space<vmem_shared>> -> memref<3200xf32, #tpu.memory_space<vmem_shared>>
      %dma_start3A_45 = tpu.memref_slice %arg13[%mul3A_38] : memref<51200xf32, #tpu.memory_space<vmem_shared>> -> memref<3200xf32, #tpu.memory_space<vmem_shared>>
      tpu.enqueue_dma source(%dma_start3A_45 : memref<3200xf32, #tpu.memory_space<vmem_shared>>) target(%arg11 : memref<3200xf32, #tpu.memory_space<vmem>>) target_semaphore(%run_scoped3A : memref<!tpu.dma_semaphore, #tpu.memory_space<semaphore_mem>>)
      %dma_wait3A_46 = tpu.memref_slice %arg13[%mul3A_38] : memref<51200xf32, #tpu.memory_space<vmem_shared>> -> memref<3200xf32, #tpu.memory_space<vmem_shared>>
      %dma_wait3A_47 = tpu.memref_slice %arg13[%mul3A_38] : memref<51200xf32, #tpu.memory_space<vmem_shared>> -> memref<3200xf32, #tpu.memory_space<vmem_shared>>
      tpu.wait_dma2 semaphore(%run_scoped3A : memref<!tpu.dma_semaphore, #tpu.memory_space<semaphore_mem>>) src(%dma_wait3A_47 : memref<3200xf32, #tpu.memory_space<vmem_shared>>) dst(%arg11 : memref<3200xf32, #tpu.memory_space<vmem>>)
      tpu.yield
    }) : () -> ()
    %mul3A_39 = arith.constant 51200 : i32
    %mul3A_40 = arith.muli %arg0, %mul3A_39 : i32
    %mul3A_41 = arith.constant 3200 : i32
    %mul3A_42 = arith.muli %arg1, %mul3A_41 : i32
    %add3A_43 = arith.addi %mul3A_40, %mul3A_42 : i32
    "tpu.region"() ({
      %run_scoped3A = tpu.sem_alloc : memref<!tpu.dma_semaphore, #tpu.memory_space<semaphore_mem>>
      %dma_start3A_44 = tpu.memref_slice %arg6[%add3A_43] : memref<102400xf32, #tpu.memory_space<hbm>> -> memref<3200xf32, #tpu.memory_space<hbm>>
      %dma_start3A_45 = tpu.memref_slice %arg6[%add3A_43] : memref<102400xf32, #tpu.memory_space<hbm>> -> memref<3200xf32, #tpu.memory_space<hbm>>
      tpu.enqueue_dma source(%arg11 : memref<3200xf32, #tpu.memory_space<vmem>>) target(%dma_start3A_45 : memref<3200xf32, #tpu.memory_space<hbm>>) target_semaphore(%run_scoped3A : memref<!tpu.dma_semaphore, #tpu.memory_space<semaphore_mem>>)
      %dma_wait3A_46 = tpu.memref_slice %arg6[%add3A_43] : memref<102400xf32, #tpu.memory_space<hbm>> -> memref<3200xf32, #tpu.memory_space<hbm>>
      %dma_wait3A_47 = tpu.memref_slice %arg6[%add3A_43] : memref<102400xf32, #tpu.memory_space<hbm>> -> memref<3200xf32, #tpu.memory_space<hbm>>
      tpu.wait_dma2 semaphore(%run_scoped3A : memref<!tpu.dma_semaphore, #tpu.memory_space<semaphore_mem>>) src(%arg11 : memref<3200xf32, #tpu.memory_space<vmem>>) dst(%dma_wait3A_47 : memref<3200xf32, #tpu.memory_space<hbm>>)
      tpu.yield
    }) : () -> ()
    return
  }
}

module attributes {stable_mosaic.version = 14 : i64} {
  func.func @_glif_body(%arg0: memref<1x102400xf32, #tpu.memory_space<vmem>>, %arg1: memref<1x102400xf32, #tpu.memory_space<vmem>>, %arg2: memref<1x102400xf32, #tpu.memory_space<vmem>>, %arg3: memref<1x50000xf32, #tpu.memory_space<vmem>>, %arg4: memref<1x50000xf32, #tpu.memory_space<vmem>>, %arg5: memref<1x50000xf32, #tpu.memory_space<vmem>>, %arg6: memref<1x50000xf32, #tpu.memory_space<vmem>>, %arg7: memref<1x50000xf32, #tpu.memory_space<vmem>>, %arg8: memref<1x50000xf32, #tpu.memory_space<vmem>>, %arg9: memref<1x50000xf32, #tpu.memory_space<vmem>>, %arg10: memref<1x100000xf32, #tpu.memory_space<vmem>>) attributes {dimension_semantics = [], scalar_prefetch = 0 : i64, scratch_operands = 0 : i64, tpu.core_type = #tpu.core_type<tc>} {
    %get3A = arith.constant 0 : index
    %get3A_0 = arith.constant 0 : index
    %get3A_1 = vector.load %arg0[%get3A, %get3A_0] : memref<1x102400xf32, #tpu.memory_space<vmem>>, vector<1x50000xf32>
    %get3A_2 = arith.constant 0 : index
    %get3A_3 = arith.constant 51200 : index
    %get3A_4 = vector.load %arg0[%get3A_2, %get3A_3] : memref<1x102400xf32, #tpu.memory_space<vmem>>, vector<1x50000xf32>
    %add3A = arith.addf %get3A_1, %get3A_4 : vector<1x50000xf32>
    %get3A_5 = arith.constant 0 : index
    %get3A_6 = arith.constant 0 : index
    %get3A_7 = vector.load %arg1[%get3A_5, %get3A_6] : memref<1x102400xf32, #tpu.memory_space<vmem>>, vector<1x50000xf32>
    %get3A_8 = arith.constant 0 : index
    %get3A_9 = arith.constant 51200 : index
    %get3A_10 = vector.load %arg1[%get3A_8, %get3A_9] : memref<1x102400xf32, #tpu.memory_space<vmem>>, vector<1x50000xf32>
    %add3A_11 = arith.addf %get3A_7, %get3A_10 : vector<1x50000xf32>
    %add3A_12 = arith.addf %add3A, %add3A_11 : vector<1x50000xf32>
    %get3A_13 = arith.constant 0 : index
    %get3A_14 = arith.constant 0 : index
    %get3A_15 = vector.load %arg2[%get3A_13, %get3A_14] : memref<1x102400xf32, #tpu.memory_space<vmem>>, vector<1x50000xf32>
    %get3A_16 = arith.constant 0 : index
    %get3A_17 = arith.constant 51200 : index
    %get3A_18 = vector.load %arg2[%get3A_16, %get3A_17] : memref<1x102400xf32, #tpu.memory_space<vmem>>, vector<1x50000xf32>
    %add3A_19 = arith.addf %get3A_15, %get3A_18 : vector<1x50000xf32>
    %add3A_20 = arith.addf %add3A_12, %add3A_19 : vector<1x50000xf32>
    %get3A_21 = arith.constant 0 : index
    %get3A_22 = arith.constant 0 : index
    %get3A_23 = vector.load %arg5[%get3A_21, %get3A_22] : memref<1x50000xf32, #tpu.memory_space<vmem>>, vector<1x50000xf32>
    %get3A_24 = arith.constant 0 : index
    %get3A_25 = arith.constant 0 : index
    %get3A_26 = vector.load %arg3[%get3A_24, %get3A_25] : memref<1x50000xf32, #tpu.memory_space<vmem>>, vector<1x50000xf32>
    %mul3A = arith.mulf %get3A_23, %get3A_26 : vector<1x50000xf32>
    %get3A_27 = arith.constant 0 : index
    %get3A_28 = arith.constant 0 : index
    %get3A_29 = vector.load %arg6[%get3A_27, %get3A_28] : memref<1x50000xf32, #tpu.memory_space<vmem>>, vector<1x50000xf32>
    %get3A_30 = arith.constant 0 : index
    %get3A_31 = arith.constant 0 : index
    %get3A_32 = vector.load %arg4[%get3A_30, %get3A_31] : memref<1x50000xf32, #tpu.memory_space<vmem>>, vector<1x50000xf32>
    %add3A_33 = arith.addf %add3A_20, %get3A_32 : vector<1x50000xf32>
    %mul3A_34 = arith.mulf %get3A_29, %add3A_33 : vector<1x50000xf32>
    %add3A_35 = arith.addf %mul3A, %mul3A_34 : vector<1x50000xf32>
    %get3A_36 = arith.constant 0 : index
    %get3A_37 = arith.constant 0 : index
    %get3A_38 = vector.load %arg7[%get3A_36, %get3A_37] : memref<1x50000xf32, #tpu.memory_space<vmem>>, vector<1x50000xf32>
    %sub3A = arith.subf %add3A_35, %get3A_38 : vector<1x50000xf32>
    %get3A_39 = arith.constant 0 : index
    %get3A_40 = arith.constant 0 : index
    %get3A_41 = vector.load %arg7[%get3A_39, %get3A_40] : memref<1x50000xf32, #tpu.memory_space<vmem>>, vector<1x50000xf32>
    %get3A_42 = arith.constant 0 : index
    %get3A_43 = arith.constant 0 : index
    %get3A_44 = vector.load %arg9[%get3A_42, %get3A_43] : memref<1x50000xf32, #tpu.memory_space<vmem>>, vector<1x50000xf32>
    %sub3A_45 = arith.subf %get3A_41, %get3A_44 : vector<1x50000xf32>
    %add3A_46 = arith.constant 9.99999993E-9 : f32
    %add3A_47 = vector.broadcast %add3A_46 : f32 to vector<1x50000xf32>
    %add3A_48 = arith.addf %sub3A_45, %add3A_47 : vector<1x50000xf32>
    %div3A = arith.divf %sub3A, %add3A_48 : vector<1x50000xf32>
    %gt3A = arith.constant 0.000000e+00 : f32
    %gt3A_49 = vector.broadcast %gt3A : f32 to vector<1x50000xf32>
    %gt3A_50 = arith.cmpf ogt, %div3A, %gt3A_49 : vector<1x50000xf32>
    %convert_element_type3A = arith.extui %gt3A_50 : vector<1x50000xi1> to vector<1x50000xi32>
    %convert_element_type3A_51 = arith.sitofp %convert_element_type3A : vector<1x50000xi32> to vector<1x50000xf32>
    %sub3A_52 = arith.constant 1.000000e+00 : f32
    %sub3A_53 = vector.broadcast %sub3A_52 : f32 to vector<1x50000xf32>
    %sub3A_54 = arith.subf %sub3A_53, %convert_element_type3A_51 : vector<1x50000xf32>
    %mul3A_55 = arith.mulf %add3A_35, %sub3A_54 : vector<1x50000xf32>
    %get3A_56 = arith.constant 0 : index
    %get3A_57 = arith.constant 0 : index
    %get3A_58 = vector.load %arg8[%get3A_56, %get3A_57] : memref<1x50000xf32, #tpu.memory_space<vmem>>, vector<1x50000xf32>
    %mul3A_59 = arith.mulf %get3A_58, %convert_element_type3A_51 : vector<1x50000xf32>
    %add3A_60 = arith.addf %mul3A_55, %mul3A_59 : vector<1x50000xf32>
    %swap3A = arith.constant 0 : index
    %swap3A_61 = arith.constant 0 : index
    %swap3A_62 = vector.load %arg10[%swap3A, %swap3A_61] : memref<1x100000xf32, #tpu.memory_space<vmem>>, vector<1x50000xf32>
    tpu.vector_store %arg10[%swap3A, %swap3A_61], %convert_element_type3A_51 {strides = array<i32>} : memref<1x100000xf32, #tpu.memory_space<vmem>>, vector<1x50000xf32>,
    %swap3A_63 = arith.constant 0 : index
    %swap3A_64 = arith.constant 50000 : index
    %swap3A_65 = vector.load %arg10[%swap3A_63, %swap3A_64] : memref<1x100000xf32, #tpu.memory_space<vmem>>, vector<1x50000xf32>
    tpu.vector_store %arg10[%swap3A_63, %swap3A_64], %add3A_60 {strides = array<i32>} : memref<1x100000xf32, #tpu.memory_space<vmem>>, vector<1x50000xf32>,
    return
  }
}

</mosaic_0001>

<sc_bundles>
// kernel: kernel.12.cloned.1.call-start
scs
__scs_entry_jumppad:
0x0: {  	(pc) =	sbr.rel $0x88, $3  }
0x1: {  	(tag) =	ssettag $0x0;
	lr =	simm.s32 $0x1  }
0x2: {  	[smem:$0x3F97] =	sst lr;
	_ =	strace $0xD0000000  }
0x3: {  	_ = 	snop  }
0x4: {  	_ = 	snop  }
0x5: {  	_ = 	snop  }
0x6: {  	_ = 	snop  }
0x7: {  	_ = 	snop  }
__scs_overlays_trampoline_lowered:
0x8: {  	[smem:$0x3FA6] =	sst s0  }
0x9: {  	[smem:$0x3FA7] =	sst s1  }
0xa: {  	[smem:$0x3FA8] =	sst s2  }
0xb: {  	[smem:$0x3FA9] =	sst s3  }
0xc: {  	[smem:$0x3FAA] =	sst s4  }
0xd: {  	[smem:$0x3FAB] =	sst s5  }
0xe: {  	[smem:$0x3FAC] =	sst s6  }
0xf: {  	[smem:$0x3FAD] =	sst s7  }
0x10: {  	[smem:$0x3FAE] =	sst s8  }
0x11: {  	[smem:$0x3FAF] =	sst s9;
	s0 =	simm.s32 @!p0 $0x0  }
0x12: {  	s1 =	sld [smem:$0x3F95];
	s0 =	simm.s32 @p0 $0x1  }
0x13: {  	[smem:$0x3FB0] =	sst s0;
	s0 =	simm.s32 @!p1 $0x0  }
0x14: {  	s2 =	sld [smem:$0x3F94];
	s0 =	simm.s32 @p1 $0x1  }
0x15: {  	[smem:$0x3FB1] =	sst s0;
	s0 =	simm.s32 @!p2 $0x0  }
0x16: {  	s3 =	sld [smem:$0x3FDB];
	s0 =	simm.s32 @p2 $0x1  }
0x17: {  	s4 =	simm.s32 $0x1BF5;
	[smem:$0x3FB3] =	sst s0  }
0x18: {  	s0 =	sld [smem:$0x3F96];
	_ =	swait.ge [sflag:s4], $0x0  }
0x19: {  	s7 =	sld [smem:$0x3F97]  }
0x1a: {  	s8 =	sadd.s32 $0xFFFFE003, lr  }
0x1b: {  	s9 =	sadd.s32 $0xFFFFFEF7, lr;
	s5 =	simm.s32 $0xFFFFFFFF;
	p2 =	slt.u32 s8, $0xFFFFF086  }
0x1c: {  	p1 =	slt.u32 s9, $0xF7A;
	s5 =	simm.s32 @!p2 $0x0  }
0x1d: {  	s5 =	simm.s32 @p1 $0x1;
	p0 =	seq.s32 s7, s2  }
0x1e: {  	s7 =	smul.u32 @!p0 $0xF7A, s2;
	p2 =	seq.s32 @!p0 s5, $0x0  }
0x1f: {  	s9 =	smul.u32 $0xF7A, s1;
	s8 =	simm.s32 @!p0 $0x1BF5;
	p2 =	por !p2, p0  }
0x20: {  	[sflag:s8] =	ssyncset.s32 @!p0 $0xFFFFF086;
	s6 =	sadd.s32 @!p0 s3, s7;
	s7 =	simm.s32 @!p0 $0x108  }
0x21: {  	s3 =	sadd.s32 s3, s9;
	s6 =	sadd.s32 @!p0 $0x88, s6;
	s7 =	simm.s32 @p2 $0x1082  }
0x22: {  	[simem:s7], [sflag:s8] =	dma.local @!p0 [hbm:s6], $0xF7A  }
0x23: {  	s9 =	sor.u32 $0xD0000000, s2;
	s6 =	simm.s32 $0x108;
	_ =	swait.ge @!p0 [sflag:s8], $0x0  }
0x24: {  	s3 =	sadd.s32 $0x88, s3;
	s6 =	simm.s32 @!p1 $0x1082;
	[sflag:s4] =	ssyncset.s32 $0xFFFFF086  }
0x25: {  	[simem:s6], [sflag:s4] =	dma.local [hbm:s3], $0xF7A  }
0x26: {  	[smem:$0x3F97] =	sst s1;
	(tag) =	ssettag s2;
	_ =	strace s9  }
0x27: {  	s1 =	sld [smem:$0x3FA7]  }
0x28: {  	s2 =	sld [smem:$0x3FA8]  }
0x29: {  	s4 =	sld [smem:$0x3FAA]  }
0x2a: {  	p0 =	seq.s32 s5, $0x0;
	s5 =	sld [smem:$0x3FAB]  }
0x2b: {  	s6 =	sld [smem:$0x3FAC]  }
0x2c: {  	s7 =	sld [smem:$0x3FAD]  }
0x2d: {  	s3 =	simm.s32 $0x108;
	s8 =	sld [smem:$0x3FAE]  }
0x2e: {  	s3 =	simm.s32 @!p0 $0x1082;
	s9 =	sld [smem:$0x3FAF]  }
0x2f: {  	lr =	sadd.s32 s0, s3;
	s0 =	sld [smem:$0x3FA6]  }
0x30: {  	s3 =	sld [smem:$0x3FA9]  }
0x31: {  	[smem:$0x3FB2] =	sst s10  }
0x32: {  	s10 =	sld [smem:$0x3FB0];
	_ =	sdelay $0x3  }
0x33: {  	p0 =	seq.s32 s10, $0x1;
	s10 =	sld [smem:$0x3FB2];
	_ =	sdelay $0x3  }
0x34: {  	[smem:$0x3FB2] =	sst s10  }
0x35: {  	s10 =	sld [smem:$0x3FB1];
	_ =	sdelay $0x3  }
0x36: {  	p1 =	seq.s32 s10, $0x1;
	s10 =	sld [smem:$0x3FB2];
	_ =	sdelay $0x3  }
0x37: {  	[smem:$0x3FB2] =	sst s10  }
0x38: {  	s10 =	sld [smem:$0x3FB3]  }
0x39: {  	_ = 	snop;
	(pc) =	sbr.ind lr, $3  }
0x3a: {  	_ = 	snop  }
0x3b: {  	_ = 	snop  }
0x3c: {  	p2 =	seq.s32 s10, $0x1;
	s10 =	sld [smem:$0x3FB2]  }
0x3d: {  	_ =	shalt  }
0x3e: {  	_ =	shalt  }
0x3f: {  	_ =	shalt  }
0x40: {  	_ =	shalt  }
0x41: {  	_ =	shalt  }
0x42: {  	_ =	shalt  }
0x43: {  	_ =	shalt  }
0x44: {  	_ =	shalt  }
0x45: {  	_ =	shalt  }
0x46: {  	_ =	shalt  }
0x47: {  	_ =	shalt  }
0x48: {  	_ =	shalt  }
0x49: {  	_ =	shalt  }
0x4a: {  	_ =	shalt  }
0x4b: {  	_ =	shalt  }
0x4c: {  	_ =	shalt  }
0x4d: {  	_ =	shalt  }
0x4e: {  	_ =	shalt  }
0x4f: {  	_ =	shalt  }
0x50: {  	_ =	shalt  }
0x51: {  	_ =	shalt  }
0x52: {  	_ =	shalt  }
0x53: {  	_ =	shalt  }
0x54: {  	_ =	shalt  }
0x55: {  	_ =	shalt  }
0x56: {  	_ =	shalt  }
0x57: {  	_ =	shalt  }
0x58: {  	_ =	shalt  }
0x59: {  	_ =	shalt  }
0x5a: {  	_ =	shalt  }
0x5b: {  	_ =	shalt  }
0x5c: {  	_ =	shalt  }
0x5d: {  	_ =	shalt  }
0x5e: {  	_ =	shalt  }
0x5f: {  	_ =	shalt  }
0x60: {  	_ =	shalt  }
0x61: {  	_ =	shalt  }
0x62: {  	_ =	shalt  }
0x63: {  	_ =	shalt  }
0x64: {  	_ =	shalt  }
0x65: {  	_ =	shalt  }
0x66: {  	_ =	shalt  }
0x67: {  	_ =	shalt  }
0x68: {  	_ =	shalt  }
0x69: {  	_ =	shalt  }
0x6a: {  	_ =	shalt  }
0x6b: {  	_ =	shalt  }
0x6c: {  	_ =	shalt  }
0x6d: {  	_ =	shalt  }
0x6e: {  	_ =	shalt  }
0x6f: {  	_ =	shalt  }
0x70: {  	_ =	shalt  }
0x71: {  	_ =	shalt  }
0x72: {  	_ =	shalt  }
0x73: {  	_ =	shalt  }
0x74: {  	_ =	shalt  }
0x75: {  	_ =	shalt  }
0x76: {  	_ =	shalt  }
0x77: {  	_ =	shalt  }
0x78: {  	_ =	shalt  }
0x79: {  	_ =	shalt  }
0x7a: {  	_ =	shalt  }
0x7b: {  	_ =	shalt  }
0x7c: {  	_ =	shalt  }
0x7d: {  	_ =	shalt  }
0x7e: {  	_ =	shalt  }
0x7f: {  	_ =	shalt  }
0x80: {  	_ =	shalt  }
0x81: {  	_ =	shalt  }
0x82: {  	_ =	shalt  }
0x83: {  	_ =	shalt  }
0x84: {  	_ =	shalt  }
0x85: {  	_ =	shalt  }
0x86: {  	_ =	shalt  }
0x87: {  	_ =	shalt  }
.Lfunc_end0:
.L_simem_size_0:
called_computation.2_lowered:
.L_overlay_start_0:
0x88: {  	s2 =	sld [smem:$0x3FD9]  }
0x89: {  	s3 =	sld [smem:$0x3FFE];
	_ =	sdelay $0x1  }
0x8a: {  	s1 =	srdreg.scid  }
0x8b: {  	s0 =	sand.u32 $0x1, s1  }
0x8c: {  	s17 =	sshll.u32 s0, $0xA;
	s2 =	sadd.s32 s3, s2  }
0x8d: {  	s2 =	sadd.s32 s2, s17  }
0x8e: {  	[smem:$0x3FBE] =	sst s2  }
0x8f: {  	_ = 	snop  }
0x90: {  	(tm) =	ssettm $0x1  }
0x91: {  	s18 =	sld [smem:$0x3FFB];
	_ =	sdelay $0x3  }
0x92: {  	_ =	strace s18  }
0x93: {  	s2 =	sld [smem:$0x3FFC];
	_ =	sdelay $0x3  }
0x94: {  	_ =	strace s2  }
0x95: {  	s2 =	sld [smem:$0x3FFD];
	_ =	sdelay $0x3  }
0x96: {  	_ =	strace s2  }
0x97: {  	_ =	strace $0x8FFFFFFF  }
0x98: {  	s19 =	sld [smem:$0x3FDB];
	_ =	sdelay $0x1  }
0x99: {  	s20 =	simm.s32 $_scs_section_size  }
0x9a: {  	s4 =	simm.s32 $_size__tile_overlayer_lowered;
	s5 =	simm.s32 $_tile_overlayer_lowered  }
0x9b: {  	s6 =	simm.s32 $0x1BFF;
	s21 =	sshll.u32 s5, $0x1;
	s3 =	sadd.s32 s20, s19  }
0x9c: {  	s22 =	simm.s32 $0x0;
	s4 =	sshll.u32 s4, $0x1;
	s5 =	sadd.s32 s21, s3  }
0x9d: {  	[timem:s22], [sflag:s6] =	dma.local [hbm:s5], s4  }
0x9e: {  	_ =	swait.ge [sflag:s6], s4  }
0x9f: {  	s4 =	ssub.s32 $0x0, s4;
	[sflag:s6] =	ssyncset.done $0x0  }
0xa0: {  	[sflag:s6] =	ssyncadd.s32 s4;
	_ =	sdelay $0x1  }
0xa1: {  	s23 =	simm.s32 $0x1B8B  }
0xa2: {  	_ =	swait.ge [sflag:s23], $0x1  }
0xa3: {  	[sflag:s23] =	ssyncset.done $0x0  }
0xa4: {  	[sflag:s23] =	ssyncadd.s32 $0xFFFFFFFF  }
0xa5: {  	s4 =	sld [smem:$0x0]  }
0xa6: {  	s5 =	sand.u32 $0xFFFFFFFE, s1  }
0xa7: {  	p0 =	sne.s32 s1, s5  }
0xa8: {  	s5 =	sshll.u32 @p0 s5, $0xE  }
0xa9: {  	s5 =	sadd.s32 @p0 $0x11B8D, s5;
	s6 =	sshll.u32 @p0 s4, $0x11  }
0xaa: {  	s5 =	sor.u32 @p0 s6, s5  }
0xab: {  	[sflag:s5] =	ssyncadd.remote.s32 @p0 $0x1;
	_ =	sdelay $0x1  }
0xac: {  	s5 =	simm.s32 @p0 $0x1B8D  }
0xad: {  	_ =	swait.eq @p0 [sflag:s5], $0x1  }
0xae: {  	[sflag:s5] =	ssyncadd.s32 @p0 $0xFFFFFFFF  }
0xaf: {  	s6 =	sshll.u32 @!p0 s1, $0xE  }
0xb0: {  	s6 =	sor.u32 @!p0 $0x4000, s6;
	s5 =	simm.s32 @!p0 $0x1B8D  }
0xb1: {  	s4 =	sshll.u32 @!p0 s4, $0x11;
	s6 =	sadd.s32 @!p0 $0x11B8D, s6;
	_ =	swait.eq @!p0 [sflag:s5], $0x1  }
0xb2: {  	s4 =	sor.u32 @!p0 s4, s6;
	[sflag:s5] =	ssyncadd.s32 @!p0 $0xFFFFFFFF  }
0xb3: {  	s25 =	simm.s32 $0x1B8E;
	s24 =	sld [smem:$0x3FFE];
	[sflag:s4] =	ssyncadd.remote.s32 @!p0 $0x1  }
0xb4: {  	s26 =	simm.s32 $execute0_lowered;
	[smem:$0x3FD2] =	sst s25  }
0xb5: {  	s5 =	sshll.u32 s26, $0x1;
	_ =	strace $0x8000004C;
	[dreg:$0x1] =	wrdreg $0xFFFFFFFF  }
0xb6: {  	s28 =	simm.s32 $_size_execute0_lowered;
	s3 =	sadd.s32 s3, s5;
	[dreg:$0x0] =	wrdreg $0x0  }
0xb7: {  	s5 =	sshll.u32 s28, $0x1;
	[dreg:$0x2] =	wrdreg s3  }
0xb8: {  	[dreg:$0x3] =	wrdreg s5  }
0xb9: {  	[dreg:$0x4] =	wrdreg $0xC0  }
0xba: {  	_ =	task [dreg:s22], $0x5FFFF  }
0xbb: {  	[dreg:$0x1] =	wrdreg $0xFFFFFFFF  }
0xbc: {  	[dreg:$0x0] =	wrdreg $0x60  }
0xbd: {  	[dreg:$0x2] =	wrdreg s24  }
0xbe: {  	[dreg:$0x3] =	wrdreg $0x111000  }
0xbf: {  	[dreg:$0x4] =	wrdreg $0x14E400  }
0xc0: {  	[dreg:$0x5] =	wrdreg $0xB  }
0xc1: {  	_ =	task.clear_ibuf [dreg:s22], $0x6FFFF;
	_ =	strace $0x9000004C  }
0xc2: {  	s29 =	simm.s32 $0xB;
	_ =	strace $0x8000004E  }
0xc3: {  	_ =	swait.ge [sflag:s29], $0x1  }
0xc4: {  	[sflag:s29] =	ssyncadd.s32 $0xFFFFFFFF  }
0xc5: {  	_ =	strace $0x9000004E  }
0xc6: {  	_ =	sfence  }
0xc7: {  	s30 =	sld [smem:$0x0];
	_ =	sdelay $0x2  }
0xc8: {  	s31 =	sshll.u32 s1, $0xD;
	s1 =	sshrl.u32 s1, $0x2  }
0xc9: {  	s4 =	sand.u32 $0x4000, s31;
	s1 =	sadd.s32 s1, s30  }
0xca: {  	s0 =	sor.u32 s4, s0;
	s1 =	sshll.u32 s1, $0x11  }
0xcb: {  	s0 =	sor.u32 s1, s0  }
0xcc: {  	s0 =	sadd.s32 $0x8F2B, s0  }
0xcd: {  	[sflag:s0] =	ssyncadd.remote.s32 $0x1  }
0xce: {  	_ =	sfence.sel $0xFFFF  }
0xcf: {  	[dreg:$0x0] =	wrdreg $0xFFFFFFFF;
	(pc) =	sbr.abs _section_cstart, $3  }
0xd0: {  	[dreg:$0x1] =	wrdreg $0xFFFFFFFF  }
0xd1: {  	_ =	task.clear_ibuf [dreg:s22], $0x2FFFF;
	_ =	strace $0x9FFFFFFF  }
0xd2: {  	(tm) =	ssettm $0x7FFFFFFF  }
0xd3: {  	_ =	shalt  }
tec
execute0_lowered:
.L_overlay_start_1:
0x0: {  	(tag) =	ssettag $0x1  }
0x1: {  	s6 =	rddreg [dreg:$0x0]  }
0x2: {  	s1 =	srdreg.scid;
	s2 =	rddreg [dreg:$0x1]  }
0x3: {  	s0 =	stileid.u32;
	s3 =	rddreg [dreg:$0x2]  }
0x4: {  	s4 =	simm.s32 $0x0;
	s15 =	simm.s32 $0xC360;
	s16 =	simm.s32 $0x2  }
0x5: {  	s17 =	simm.s32 $0x10480;
	s18 =	simm.s32 $0x4120;
	s19 =	simm.s32 $0x8240  }
0x6: {  	s20 =	simm.s32 $0x1;
	s21 =	simm.s32 $0x0;
	s9 =	smul.u32 $0xC80, s0  }
0x7: {  	s5 =	sand.u32 $0x1, s1;
	s25 =	sshll.u32 s0, $0x1;
	s28 =	smul.u32 $0x3D40, s0  }
0x8: {  	[smem:$0x7FF] =	sst s4;
	s1 =	sor.u32 s5, s25;
	s8 =	smul.u32 $0xC800, s5  }
0x9: {  	s10 =	sadd.s32 $0x63E00, s6;
	s5 =	ssub.s32 $0x2, s5;
	s7 =	smul.u32 $0x822, s1  }
0xa: {  	s1 =	rddreg [dreg:$0x3];
	_ =	strace $0x8000004D;
	s29 =	sshrl.u32 s5, $0x1  }
0xb: {  	s30 =	sshrl.u32 s28, $0x3;
	s11 =	sadd.s32 $0x1EA0, s28;
	s26 =	sadd.s32 s9, s8  }
0xc: {  	s14 =	ssub.s32 s5, s29;
	s5 =	sadd.s32 s10, s30;
	s31 =	sshrl.u32 s11, $0x3  }
0xd: {  	s8 =	sadd.s32 s11, s2;
	s12 =	sadd.s32 s7, s6;
	s7 =	sshrl.u32 s26, $0x3  }
0xe: {  	s9 =	sadd.s32 s9, s3;
	s14 =	smax.u32 s14, $0x1;
	s13 =	sadd.s32 s7, s6  }
0xf: {  	s6 =	sadd.s32 s28, s2;
	s7 =	sadd.s32 s10, s31;
	s10 =	sadd.s32 $0x92A00, s12  }
0x10: {  	v0 =	vimm.f32 $0.0e+00;
	v1 =	vimm.s32 $0x0;
	s11 =	sadd.s32 $0x82400, s12;
	s12 =	sadd.s32 $0x71E00, s12;
	s13 =	sadd.s32 $0xA3000, s13  }
.LBB2_1:
0x11: {  	[tilespmem:s15], [sflag:$0x2] =	stream.linear.gather [hbm4b:s5+s4], $0x1EA0, $0x38;
	[tilespmem:$0x15AC0] =	vst v63  }
0x12: {  	_ =	swait.ge [sflag:s16], $0x1EA0  }
0x13: {  	[sflag:s16] =	ssyncset.done $0x0  }
0x14: {  	[sflag:s16] =	ssyncadd.s32 $0xFFFFE160  }
0x15: {  	[spmem:s6] =	stream.linear.scatter [tilespmem:s15], [sflag:$0x2], $0x1EA0, $0x38;
	[tilespmem:$0x15AC0] =	vst v63  }
0x16: {  	_ =	swait.ge [sflag:s16], $0x1EA0  }
0x17: {  	[sflag:s16] =	ssyncset.done $0x0  }
0x18: {  	[sflag:s16] =	ssyncadd.s32 $0xFFFFE160  }
0x19: {  	[tilespmem:s15], [sflag:$0x2] =	stream.linear.gather [hbm4b:s7+s4], $0x1EA0, $0x38;
	[tilespmem:$0x15AC0] =	vst v63  }
0x1a: {  	_ =	swait.ge [sflag:s16], $0x1EA0  }
0x1b: {  	[sflag:s16] =	ssyncset.done $0x0  }
0x1c: {  	[sflag:s16] =	ssyncadd.s32 $0xFFFFE160  }
0x1d: {  	[spmem:s8] =	stream.linear.scatter [tilespmem:s15], [sflag:$0x2], $0x1EA0, $0x38;
	[tilespmem:$0x15AC0] =	vst v63  }
0x1e: {  	_ =	swait.ge [sflag:s16], $0x1EA0  }
0x1f: {  	[sflag:s16] =	ssyncset.done $0x0  }
0x20: {  	s22 =	simm.s32 $0x40;
	s23 =	simm.s32 $0x0;
	[sflag:s16] =	ssyncadd.s32 $0xFFFFE160  }
.LBB2_2:
0x21: {  	p0 =	sne.s32 s22, $0x31C0;
	[tilespmem:s23+$0x10480] =	vst v0;
	s23 =	smov.u32 s22;
	s22 =	sadd.s32 $0x40, s22  }
.Ltmp0:
0x22: {  	(pc) =	sbr.rel @p0 .LBB2_2-.Ltmp0, $2  }
0x23: {  	_ =	sdelay $0x2  }
0x24: {  	s23 =	sshra.s32 s23, $0x2  }
0x25: {  	[tilespmem:s23+$0x10480] =	vst v0  }
0x26: {  	[spmem:s9] =	stream.linear.scatter [tilespmem:s17], [sflag:$0x2], $0xC80, $0x38;
	[tilespmem:$0x15AC0] =	vst v63  }
0x27: {  	_ =	swait.ge [sflag:s16], $0xC80  }
0x28: {  	[sflag:s16] =	ssyncset.done $0x0  }
0x29: {  	[sflag:s16] =	ssyncadd.s32 $0xFFFFF380  }
0x2a: {  	[tilespmem:$0x4110] =	vst v1  }
0x2b: {  	[tilespmem:$0x8230] =	vst v1  }
0x2c: {  	[tilespmem:$0xC350] =	vst v0  }
0x2d: {  	s22 =	simm.s32 $0x0;
	[bflag:$0x0] =	sbarrier.arrive $0xFFFF  }
0x2e: {  	[tilespmem:s22], [sflag:$0x2] =	stream.linear.gather [hbm4b:s10+s22], $0x4110, $0x38;
	[tilespmem:$0x15AC0] =	vst v63  }
0x2f: {  	_ =	swait.ge [sflag:s16], $0x4110  }
0x30: {  	[sflag:s16] =	ssyncset.done $0x0  }
0x31: {  	[sflag:s16] =	ssyncadd.s32 $0xFFFFBEF0  }
0x32: {  	[tilespmem:s18], [sflag:$0x2] =	stream.linear.gather [hbm4b:s11+s22], $0x4110, $0x38;
	[tilespmem:$0x15AC0] =	vst v63  }
0x33: {  	_ =	swait.ge [sflag:s16], $0x4110  }
0x34: {  	[sflag:s16] =	ssyncset.done $0x0  }
0x35: {  	[sflag:s16] =	ssyncadd.s32 $0xFFFFBEF0  }
0x36: {  	[tilespmem:s19], [sflag:$0x2] =	stream.linear.gather [hbm4b:s12+s22], $0x4110, $0x38;
	[tilespmem:$0x15AC0] =	vst v63  }
0x37: {  	_ =	swait.ge [sflag:s16], $0x4110  }
0x38: {  	[sflag:s16] =	ssyncset.done $0x0  }
0x39: {  	[sflag:s16] =	ssyncadd.s32 $0xFFFFBEF0  }
0x3a: {  	[tilespmem:s15], [sflag:$0x1] =	stream.indirect.gather [spmem:s2], $0x1, s22, s18, $0xb8;
	[tilespmem:$0x15AC0] =	vst v63  }
0x3b: {  	_ =	swait.ge [sflag:s20], $0x4120  }
0x3c: {  	[sflag:s20] =	ssyncset.done $0x0  }
0x3d: {  	s22 =	simm.s32 $0x0;
	[sflag:s20] =	ssyncadd.s32 $0xFFFFBEE0  }
0x3e: {  	s23 =	simm.s32 $0x40;
	v2 =	vld [tilespmem:s22+$0x8240]  }
.LBB2_4:
0x3f: {  	p0 =	sne.s32 s23, $0x10440;
	v3 =	vld [tilespmem:s22+$0xC360];
	_ =	sdelay $0x2  }
.Ltmp1:
0x40: {  	(pc) =	sbr.rel @p0 .LBB2_4-.Ltmp1, $4  }
0x41: {  	_ = 	snop  }
0x42: {  	v3 =	vmul.f32 v2, v3  }
0x43: {  	s24 =	sshra.s32 s23, $0x2  }
0x44: {  	s23 =	sadd.s32 $0x40, s23;
	v2 =	vld [tilespmem:s24+$0x8240];
	[tilespmem:s22+$0xC360] =	vst v3;
	s22 =	smov.u32 s24  }
0x45: {  	v3 =	vld [tilespmem:s22+$0xC360];
	_ =	sdelay $0x4  }
0x46: {  	v2 =	vmul.f32 v2, v3;
	_ =	sdelay $0x1  }
0x47: {  	[tilespmem:s22+$0xC360] =	vst v2  }
0x48: {  	[spmem:s3] =	stream.indirect.scatter.add.f32 [tilespmem:s15], [sflag:$0x2], $0x1, s18, s18, $0xb8;
	[tilespmem:$0x15AC0] =	vst v63  }
0x49: {  	_ =	swait.ge [sflag:s16], $0x4120  }
0x4a: {  	[sflag:s16] =	ssyncset.done $0x0  }
0x4b: {  	[sflag:s16] =	ssyncadd.s32 $0xFFFFBEE0  }
0x4c: {  	[bflag:$0x0] =	sbarrier.arrive $0xFFFF  }
0x4d: {  	[tilespmem:s17], [sflag:$0x2] =	stream.linear.gather [spmem:s9], $0xC80, $0x38;
	[tilespmem:$0x15AC0] =	vst v63  }
0x4e: {  	s21 =	sadd.s32 $0x1, s21;
	_ =	swait.ge [sflag:s16], $0xC80  }
0x4f: {  	p0 =	sne.s32 s21, s14;
	[sflag:s16] =	ssyncset.done $0x0  }
.Ltmp2:
0x50: {  	[sflag:s16] =	ssyncadd.s32 $0xFFFFF380;
	(pc) =	sbr.rel @p0 .LBB2_1-.Ltmp2, $4  }
0x51: {  	[hbm4b:s13+s4] =	stream.linear.scatter [tilespmem:s17], [sflag:$0x2], $0xC80, $0x38;
	[tilespmem:$0x15AC0] =	vst v63  }
0x52: {  	_ =	swait.ge [sflag:s16], $0xC80  }
0x53: {  	[sflag:s16] =	ssyncset.done $0x0  }
0x54: {  	[sflag:s16] =	ssyncadd.s32 $0xFFFFF380  }
0x55: {  	_ =	sfence.sel $0x180000  }
0x56: {  	[bflag:$0x0] =	sbarrier.arrive $0xFFFF  }
0x57: {  	p0 =	sne.s32 s0, $0x0;
	_ =	strace $0x9000004D  }
0x58: {  	s0 =	sadd.s32 @!p0 $0x100000, s1;
	[bflag:$0x2] =	sbarrier.arrive $0xFFFF  }
0x59: {  	[sflag:s0] =	ssyncadd.tile.s32 @!p0 $0x1;
	_ =	shalt  }
.Lfunc_end2:
_tile_overlayer_lowered:
.L_overlay_start_2:
0x5a: {  	(tag) =	ssettag $0x2  }
0x5b: {  	s0 =	rddreg [dreg:$0x0];
	s2 =	stileid.u32  }
0x5c: {  	s1 =	rddreg [dreg:$0x1];
	p0 =	sne.s32 s2, $0x0  }
0x5d: {  	s3 =	rddreg [dreg:$0x2];
	[bflag:$0x3] =	sbarrier.arrive $0xFFFF;
	s2 =	simm.s32 @!p0 $0x1C02  }
0x5e: {  	[timem:s3], [sflag:s2] =	dma.local @!p0 [hbm:s0], s1  }
0x5f: {  	s0 =	simm.s32 @!p0 $0x2  }
0x60: {  	_ =	swait.ge @!p0 [sflag:s0], s1  }
0x61: {  	s1 =	ssub.s32 @!p0 $0x0, s1;
	[sflag:s0] =	ssyncset.done @!p0 $0x0  }
0x62: {  	[sflag:s0] =	ssyncadd.s32 @!p0 s1  }
0x63: {  	[bflag:$0x3] =	sbarrier.arrive $0xFFFF  }
0x64: {  	_ =	shalt  }

// kernel: kernel.6.cloned.1.call-start
scs
__scs_entry_jumppad:
0x0: {  	(pc) =	sbr.rel $0x88, $3  }
0x1: {  	(tag) =	ssettag $0x0;
	lr =	simm.s32 $0x1  }
0x2: {  	[smem:$0x3F97] =	sst lr;
	_ =	strace $0xD0000000  }
0x3: {  	_ = 	snop  }
0x4: {  	_ = 	snop  }
0x5: {  	_ = 	snop  }
0x6: {  	_ = 	snop  }
0x7: {  	_ = 	snop  }
__scs_overlays_trampoline_lowered:
0x8: {  	[smem:$0x3FA6] =	sst s0  }
0x9: {  	[smem:$0x3FA7] =	sst s1  }
0xa: {  	[smem:$0x3FA8] =	sst s2  }
0xb: {  	[smem:$0x3FA9] =	sst s3  }
0xc: {  	[smem:$0x3FAA] =	sst s4  }
0xd: {  	[smem:$0x3FAB] =	sst s5  }
0xe: {  	[smem:$0x3FAC] =	sst s6  }
0xf: {  	[smem:$0x3FAD] =	sst s7  }
0x10: {  	[smem:$0x3FAE] =	sst s8  }
0x11: {  	[smem:$0x3FAF] =	sst s9;
	s0 =	simm.s32 @!p0 $0x0  }
0x12: {  	s1 =	sld [smem:$0x3F95];
	s0 =	simm.s32 @p0 $0x1  }
0x13: {  	[smem:$0x3FB0] =	sst s0;
	s0 =	simm.s32 @!p1 $0x0  }
0x14: {  	s2 =	sld [smem:$0x3F94];
	s0 =	simm.s32 @p1 $0x1  }
0x15: {  	[smem:$0x3FB1] =	sst s0;
	s0 =	simm.s32 @!p2 $0x0  }
0x16: {  	s3 =	sld [smem:$0x3FDB];
	s0 =	simm.s32 @p2 $0x1  }
0x17: {  	s4 =	simm.s32 $0x1BF5;
	[smem:$0x3FB3] =	sst s0  }
0x18: {  	s0 =	sld [smem:$0x3F96];
	_ =	swait.ge [sflag:s4], $0x0  }
0x19: {  	s7 =	sld [smem:$0x3F97]  }
0x1a: {  	s8 =	sadd.s32 $0xFFFFE003, lr  }
0x1b: {  	s9 =	sadd.s32 $0xFFFFFEF7, lr;
	s5 =	simm.s32 $0xFFFFFFFF;
	p2 =	slt.u32 s8, $0xFFFFF086  }
0x1c: {  	p1 =	slt.u32 s9, $0xF7A;
	s5 =	simm.s32 @!p2 $0x0  }
0x1d: {  	s5 =	simm.s32 @p1 $0x1;
	p0 =	seq.s32 s7, s2  }
0x1e: {  	s7 =	smul.u32 @!p0 $0xF7A, s2;
	p2 =	seq.s32 @!p0 s5, $0x0  }
0x1f: {  	s9 =	smul.u32 $0xF7A, s1;
	s8 =	simm.s32 @!p0 $0x1BF5;
	p2 =	por !p2, p0  }
0x20: {  	[sflag:s8] =	ssyncset.s32 @!p0 $0xFFFFF086;
	s6 =	sadd.s32 @!p0 s3, s7;
	s7 =	simm.s32 @!p0 $0x108  }
0x21: {  	s3 =	sadd.s32 s3, s9;
	s6 =	sadd.s32 @!p0 $0x88, s6;
	s7 =	simm.s32 @p2 $0x1082  }
0x22: {  	[simem:s7], [sflag:s8] =	dma.local @!p0 [hbm:s6], $0xF7A  }
0x23: {  	s9 =	sor.u32 $0xD0000000, s2;
	s6 =	simm.s32 $0x108;
	_ =	swait.ge @!p0 [sflag:s8], $0x0  }
0x24: {  	s3 =	sadd.s32 $0x88, s3;
	s6 =	simm.s32 @!p1 $0x1082;
	[sflag:s4] =	ssyncset.s32 $0xFFFFF086  }
0x25: {  	[simem:s6], [sflag:s4] =	dma.local [hbm:s3], $0xF7A  }
0x26: {  	[smem:$0x3F97] =	sst s1;
	(tag) =	ssettag s2;
	_ =	strace s9  }
0x27: {  	s1 =	sld [smem:$0x3FA7]  }
0x28: {  	s2 =	sld [smem:$0x3FA8]  }
0x29: {  	s4 =	sld [smem:$0x3FAA]  }
0x2a: {  	p0 =	seq.s32 s5, $0x0;
	s5 =	sld [smem:$0x3FAB]  }
0x2b: {  	s6 =	sld [smem:$0x3FAC]  }
0x2c: {  	s7 =	sld [smem:$0x3FAD]  }
0x2d: {  	s3 =	simm.s32 $0x108;
	s8 =	sld [smem:$0x3FAE]  }
0x2e: {  	s3 =	simm.s32 @!p0 $0x1082;
	s9 =	sld [smem:$0x3FAF]  }
0x2f: {  	lr =	sadd.s32 s0, s3;
	s0 =	sld [smem:$0x3FA6]  }
0x30: {  	s3 =	sld [smem:$0x3FA9]  }
0x31: {  	[smem:$0x3FB2] =	sst s10  }
0x32: {  	s10 =	sld [smem:$0x3FB0];
	_ =	sdelay $0x3  }
0x33: {  	p0 =	seq.s32 s10, $0x1;
	s10 =	sld [smem:$0x3FB2];
	_ =	sdelay $0x3  }
0x34: {  	[smem:$0x3FB2] =	sst s10  }
0x35: {  	s10 =	sld [smem:$0x3FB1];
	_ =	sdelay $0x3  }
0x36: {  	p1 =	seq.s32 s10, $0x1;
	s10 =	sld [smem:$0x3FB2];
	_ =	sdelay $0x3  }
0x37: {  	[smem:$0x3FB2] =	sst s10  }
0x38: {  	s10 =	sld [smem:$0x3FB3]  }
0x39: {  	_ = 	snop;
	(pc) =	sbr.ind lr, $3  }
0x3a: {  	_ = 	snop  }
0x3b: {  	_ = 	snop  }
0x3c: {  	p2 =	seq.s32 s10, $0x1;
	s10 =	sld [smem:$0x3FB2]  }
0x3d: {  	_ =	shalt  }
0x3e: {  	_ =	shalt  }
0x3f: {  	_ =	shalt  }
0x40: {  	_ =	shalt  }
0x41: {  	_ =	shalt  }
0x42: {  	_ =	shalt  }
0x43: {  	_ =	shalt  }
0x44: {  	_ =	shalt  }
0x45: {  	_ =	shalt  }
0x46: {  	_ =	shalt  }
0x47: {  	_ =	shalt  }
0x48: {  	_ =	shalt  }
0x49: {  	_ =	shalt  }
0x4a: {  	_ =	shalt  }
0x4b: {  	_ =	shalt  }
0x4c: {  	_ =	shalt  }
0x4d: {  	_ =	shalt  }
0x4e: {  	_ =	shalt  }
0x4f: {  	_ =	shalt  }
0x50: {  	_ =	shalt  }
0x51: {  	_ =	shalt  }
0x52: {  	_ =	shalt  }
0x53: {  	_ =	shalt  }
0x54: {  	_ =	shalt  }
0x55: {  	_ =	shalt  }
0x56: {  	_ =	shalt  }
0x57: {  	_ =	shalt  }
0x58: {  	_ =	shalt  }
0x59: {  	_ =	shalt  }
0x5a: {  	_ =	shalt  }
0x5b: {  	_ =	shalt  }
0x5c: {  	_ =	shalt  }
0x5d: {  	_ =	shalt  }
0x5e: {  	_ =	shalt  }
0x5f: {  	_ =	shalt  }
0x60: {  	_ =	shalt  }
0x61: {  	_ =	shalt  }
0x62: {  	_ =	shalt  }
0x63: {  	_ =	shalt  }
0x64: {  	_ =	shalt  }
0x65: {  	_ =	shalt  }
0x66: {  	_ =	shalt  }
0x67: {  	_ =	shalt  }
0x68: {  	_ =	shalt  }
0x69: {  	_ =	shalt  }
0x6a: {  	_ =	shalt  }
0x6b: {  	_ =	shalt  }
0x6c: {  	_ =	shalt  }
0x6d: {  	_ =	shalt  }
0x6e: {  	_ =	shalt  }
0x6f: {  	_ =	shalt  }
0x70: {  	_ =	shalt  }
0x71: {  	_ =	shalt  }
0x72: {  	_ =	shalt  }
0x73: {  	_ =	shalt  }
0x74: {  	_ =	shalt  }
0x75: {  	_ =	shalt  }
0x76: {  	_ =	shalt  }
0x77: {  	_ =	shalt  }
0x78: {  	_ =	shalt  }
0x79: {  	_ =	shalt  }
0x7a: {  	_ =	shalt  }
0x7b: {  	_ =	shalt  }
0x7c: {  	_ =	shalt  }
0x7d: {  	_ =	shalt  }
0x7e: {  	_ =	shalt  }
0x7f: {  	_ =	shalt  }
0x80: {  	_ =	shalt  }
0x81: {  	_ =	shalt  }
0x82: {  	_ =	shalt  }
0x83: {  	_ =	shalt  }
0x84: {  	_ =	shalt  }
0x85: {  	_ =	shalt  }
0x86: {  	_ =	shalt  }
0x87: {  	_ =	shalt  }
.Lfunc_end0:
.L_simem_size_0:
called_computation_lowered:
.L_overlay_start_0:
0x88: {  	s2 =	sld [smem:$0x3FD9]  }
0x89: {  	s3 =	sld [smem:$0x3FFE];
	_ =	sdelay $0x1  }
0x8a: {  	s1 =	srdreg.scid  }
0x8b: {  	s0 =	sand.u32 $0x1, s1  }
0x8c: {  	s17 =	sshll.u32 s0, $0xA;
	s2 =	sadd.s32 s3, s2  }
0x8d: {  	s2 =	sadd.s32 s2, s17  }
0x8e: {  	[smem:$0x3FBE] =	sst s2  }
0x8f: {  	_ = 	snop  }
0x90: {  	(tm) =	ssettm $0x1  }
0x91: {  	s18 =	sld [smem:$0x3FFB];
	_ =	sdelay $0x3  }
0x92: {  	_ =	strace s18  }
0x93: {  	s2 =	sld [smem:$0x3FFC];
	_ =	sdelay $0x3  }
0x94: {  	_ =	strace s2  }
0x95: {  	s2 =	sld [smem:$0x3FFD];
	_ =	sdelay $0x3  }
0x96: {  	_ =	strace s2  }
0x97: {  	_ =	strace $0x8FFFFFFF  }
0x98: {  	s19 =	sld [smem:$0x3FDB];
	_ =	sdelay $0x1  }
0x99: {  	s20 =	simm.s32 $_scs_section_size  }
0x9a: {  	s4 =	simm.s32 $_size__tile_overlayer_lowered;
	s5 =	simm.s32 $_tile_overlayer_lowered  }
0x9b: {  	s6 =	simm.s32 $0x1BFF;
	s21 =	sshll.u32 s5, $0x1;
	s3 =	sadd.s32 s20, s19  }
0x9c: {  	s22 =	simm.s32 $0x0;
	s4 =	sshll.u32 s4, $0x1;
	s5 =	sadd.s32 s21, s3  }
0x9d: {  	[timem:s22], [sflag:s6] =	dma.local [hbm:s5], s4  }
0x9e: {  	_ =	swait.ge [sflag:s6], s4  }
0x9f: {  	s4 =	ssub.s32 $0x0, s4;
	[sflag:s6] =	ssyncset.done $0x0  }
0xa0: {  	[sflag:s6] =	ssyncadd.s32 s4;
	_ =	sdelay $0x1  }
0xa1: {  	s23 =	simm.s32 $0x1B8B  }
0xa2: {  	_ =	swait.ge [sflag:s23], $0x1  }
0xa3: {  	[sflag:s23] =	ssyncset.done $0x0  }
0xa4: {  	[sflag:s23] =	ssyncadd.s32 $0xFFFFFFFF  }
0xa5: {  	s4 =	sld [smem:$0x0]  }
0xa6: {  	s5 =	sand.u32 $0xFFFFFFFE, s1  }
0xa7: {  	p0 =	sne.s32 s1, s5  }
0xa8: {  	s5 =	sshll.u32 @p0 s5, $0xE  }
0xa9: {  	s5 =	sadd.s32 @p0 $0x11B8D, s5;
	s6 =	sshll.u32 @p0 s4, $0x11  }
0xaa: {  	s5 =	sor.u32 @p0 s6, s5  }
0xab: {  	[sflag:s5] =	ssyncadd.remote.s32 @p0 $0x1;
	_ =	sdelay $0x1  }
0xac: {  	s5 =	simm.s32 @p0 $0x1B8D  }
0xad: {  	_ =	swait.eq @p0 [sflag:s5], $0x1  }
0xae: {  	[sflag:s5] =	ssyncadd.s32 @p0 $0xFFFFFFFF  }
0xaf: {  	s6 =	sshll.u32 @!p0 s1, $0xE  }
0xb0: {  	s6 =	sor.u32 @!p0 $0x4000, s6;
	s5 =	simm.s32 @!p0 $0x1B8D  }
0xb1: {  	s4 =	sshll.u32 @!p0 s4, $0x11;
	s6 =	sadd.s32 @!p0 $0x11B8D, s6;
	_ =	swait.eq @!p0 [sflag:s5], $0x1  }
0xb2: {  	s4 =	sor.u32 @!p0 s4, s6;
	[sflag:s5] =	ssyncadd.s32 @!p0 $0xFFFFFFFF  }
0xb3: {  	s25 =	simm.s32 $0x1B8E;
	s24 =	sld [smem:$0x3FFE];
	[sflag:s4] =	ssyncadd.remote.s32 @!p0 $0x1  }
0xb4: {  	s26 =	simm.s32 $execute0_lowered;
	[smem:$0x3FD2] =	sst s25  }
0xb5: {  	s5 =	sshll.u32 s26, $0x1;
	_ =	strace $0x80000049;
	[dreg:$0x1] =	wrdreg $0xFFFFFFFF  }
0xb6: {  	s28 =	simm.s32 $_size_execute0_lowered;
	s3 =	sadd.s32 s3, s5;
	[dreg:$0x0] =	wrdreg $0x0  }
0xb7: {  	s5 =	sshll.u32 s28, $0x1;
	[dreg:$0x2] =	wrdreg s3  }
0xb8: {  	[dreg:$0x3] =	wrdreg s5  }
0xb9: {  	[dreg:$0x4] =	wrdreg $0xC0  }
0xba: {  	_ =	task [dreg:s22], $0x5FFFF  }
0xbb: {  	[dreg:$0x1] =	wrdreg $0xFFFFFFFF  }
0xbc: {  	[dreg:$0x0] =	wrdreg $0x60  }
0xbd: {  	[dreg:$0x2] =	wrdreg s24  }
0xbe: {  	[dreg:$0x3] =	wrdreg $0x111400  }
0xbf: {  	[dreg:$0x4] =	wrdreg $0x14E800  }
0xc0: {  	[dreg:$0x5] =	wrdreg $0x9  }
0xc1: {  	_ =	task.clear_ibuf [dreg:s22], $0x6FFFF;
	_ =	strace $0x90000049  }
0xc2: {  	s29 =	simm.s32 $0x9;
	_ =	strace $0x8000004B  }
0xc3: {  	_ =	swait.ge [sflag:s29], $0x1  }
0xc4: {  	[sflag:s29] =	ssyncadd.s32 $0xFFFFFFFF  }
0xc5: {  	_ =	strace $0x9000004B  }
0xc6: {  	_ =	sfence  }
0xc7: {  	s30 =	sld [smem:$0x0];
	_ =	sdelay $0x2  }
0xc8: {  	s31 =	sshll.u32 s1, $0xD;
	s1 =	sshrl.u32 s1, $0x2  }
0xc9: {  	s4 =	sand.u32 $0x4000, s31;
	s1 =	sadd.s32 s1, s30  }
0xca: {  	s0 =	sor.u32 s4, s0;
	s1 =	sshll.u32 s1, $0x11  }
0xcb: {  	s0 =	sor.u32 s1, s0  }
0xcc: {  	s0 =	sadd.s32 $0x8F2B, s0  }
0xcd: {  	[sflag:s0] =	ssyncadd.remote.s32 $0x1  }
0xce: {  	_ =	sfence.sel $0xFFFF  }
0xcf: {  	[dreg:$0x0] =	wrdreg $0xFFFFFFFF;
	(pc) =	sbr.abs _section_cstart, $3  }
0xd0: {  	[dreg:$0x1] =	wrdreg $0xFFFFFFFF  }
0xd1: {  	_ =	task.clear_ibuf [dreg:s22], $0x2FFFF;
	_ =	strace $0x9FFFFFFF  }
0xd2: {  	(tm) =	ssettm $0x7FFFFFFF  }
0xd3: {  	_ =	shalt  }
tec
execute0_lowered:
.L_overlay_start_1:
0x0: {  	(tag) =	ssettag $0x1  }
0x1: {  	s6 =	rddreg [dreg:$0x0]  }
0x2: {  	s1 =	srdreg.scid;
	s2 =	rddreg [dreg:$0x1]  }
0x3: {  	s0 =	stileid.u32;
	s3 =	rddreg [dreg:$0x2]  }
0x4: {  	s4 =	simm.s32 $0x0;
	s15 =	simm.s32 $0xC390;
	s16 =	simm.s32 $0x2  }
0x5: {  	s17 =	simm.s32 $0x104C0;
	s18 =	simm.s32 $0x4130;
	s19 =	simm.s32 $0x8260  }
0x6: {  	s20 =	simm.s32 $0x1;
	s21 =	simm.s32 $0x0;
	s9 =	smul.u32 $0xC80, s0  }
0x7: {  	s5 =	sand.u32 $0x1, s1;
	s25 =	sshll.u32 s0, $0x1;
	s28 =	smul.u32 $0x3D40, s0  }
0x8: {  	[smem:$0x7FF] =	sst s4;
	s1 =	sor.u32 s5, s25;
	s8 =	smul.u32 $0xC800, s5  }
0x9: {  	s10 =	sadd.s32 $0x63E00, s6;
	s5 =	ssub.s32 $0x2, s5;
	s7 =	smul.u32 $0x824, s1  }
0xa: {  	s1 =	rddreg [dreg:$0x3];
	_ =	strace $0x8000004A;
	s29 =	sshrl.u32 s5, $0x1  }
0xb: {  	s30 =	sshrl.u32 s28, $0x3;
	s11 =	sadd.s32 $0x1EA0, s28;
	s26 =	sadd.s32 s9, s8  }
0xc: {  	s14 =	ssub.s32 s5, s29;
	s5 =	sadd.s32 s10, s30;
	s31 =	sshrl.u32 s11, $0x3  }
0xd: {  	s8 =	sadd.s32 s11, s2;
	s12 =	sadd.s32 s7, s6;
	s7 =	sshrl.u32 s26, $0x3  }
0xe: {  	s9 =	sadd.s32 s9, s3;
	s14 =	smax.u32 s14, $0x1;
	s13 =	sadd.s32 s7, s6  }
0xf: {  	s6 =	sadd.s32 s28, s2;
	s7 =	sadd.s32 s10, s31;
	s10 =	sadd.s32 $0x32C00, s12  }
0x10: {  	v0 =	vimm.f32 $0.0e+00;
	v1 =	vimm.s32 $0x0;
	s11 =	sadd.s32 $0x22600, s12;
	s12 =	sadd.s32 $0x53800, s12;
	s13 =	sadd.s32 $0x6EC00, s13  }
.LBB2_1:
0x11: {  	[tilespmem:s15], [sflag:$0x2] =	stream.linear.gather [hbm4b:s5+s4], $0x1EA0, $0x38;
	[tilespmem:$0x15B00] =	vst v63  }
0x12: {  	_ =	swait.ge [sflag:s16], $0x1EA0  }
0x13: {  	[sflag:s16] =	ssyncset.done $0x0  }
0x14: {  	[sflag:s16] =	ssyncadd.s32 $0xFFFFE160  }
0x15: {  	[spmem:s6] =	stream.linear.scatter [tilespmem:s15], [sflag:$0x2], $0x1EA0, $0x38;
	[tilespmem:$0x15B00] =	vst v63  }
0x16: {  	_ =	swait.ge [sflag:s16], $0x1EA0  }
0x17: {  	[sflag:s16] =	ssyncset.done $0x0  }
0x18: {  	[sflag:s16] =	ssyncadd.s32 $0xFFFFE160  }
0x19: {  	[tilespmem:s15], [sflag:$0x2] =	stream.linear.gather [hbm4b:s7+s4], $0x1EA0, $0x38;
	[tilespmem:$0x15B00] =	vst v63  }
0x1a: {  	_ =	swait.ge [sflag:s16], $0x1EA0  }
0x1b: {  	[sflag:s16] =	ssyncset.done $0x0  }
0x1c: {  	[sflag:s16] =	ssyncadd.s32 $0xFFFFE160  }
0x1d: {  	[spmem:s8] =	stream.linear.scatter [tilespmem:s15], [sflag:$0x2], $0x1EA0, $0x38;
	[tilespmem:$0x15B00] =	vst v63  }
0x1e: {  	_ =	swait.ge [sflag:s16], $0x1EA0  }
0x1f: {  	[sflag:s16] =	ssyncset.done $0x0  }
0x20: {  	s22 =	simm.s32 $0x40;
	s23 =	simm.s32 $0x0;
	[sflag:s16] =	ssyncadd.s32 $0xFFFFE160  }
.LBB2_2:
0x21: {  	p0 =	sne.s32 s22, $0x31C0;
	[tilespmem:s23+$0x104C0] =	vst v0;
	s23 =	smov.u32 s22;
	s22 =	sadd.s32 $0x40, s22  }
.Ltmp0:
0x22: {  	(pc) =	sbr.rel @p0 .LBB2_2-.Ltmp0, $2  }
0x23: {  	_ =	sdelay $0x2  }
0x24: {  	s23 =	sshra.s32 s23, $0x2  }
0x25: {  	[tilespmem:s23+$0x104C0] =	vst v0  }
0x26: {  	[spmem:s9] =	stream.linear.scatter [tilespmem:s17], [sflag:$0x2], $0xC80, $0x38;
	[tilespmem:$0x15B00] =	vst v63  }
0x27: {  	_ =	swait.ge [sflag:s16], $0xC80  }
0x28: {  	[sflag:s16] =	ssyncset.done $0x0  }
0x29: {  	[sflag:s16] =	ssyncadd.s32 $0xFFFFF380  }
0x2a: {  	[tilespmem:$0x4120] =	vst v1  }
0x2b: {  	[tilespmem:$0x8250] =	vst v1  }
0x2c: {  	[tilespmem:$0xC380] =	vst v0  }
0x2d: {  	s22 =	simm.s32 $0x0;
	[bflag:$0x0] =	sbarrier.arrive $0xFFFF  }
0x2e: {  	[tilespmem:s22], [sflag:$0x2] =	stream.linear.gather [hbm4b:s10+s22], $0x4120, $0x38;
	[tilespmem:$0x15B00] =	vst v63  }
0x2f: {  	_ =	swait.ge [sflag:s16], $0x4120  }
0x30: {  	[sflag:s16] =	ssyncset.done $0x0  }
0x31: {  	[sflag:s16] =	ssyncadd.s32 $0xFFFFBEE0  }
0x32: {  	[tilespmem:s18], [sflag:$0x2] =	stream.linear.gather [hbm4b:s11+s22], $0x4120, $0x38;
	[tilespmem:$0x15B00] =	vst v63  }
0x33: {  	_ =	swait.ge [sflag:s16], $0x4120  }
0x34: {  	[sflag:s16] =	ssyncset.done $0x0  }
0x35: {  	[sflag:s16] =	ssyncadd.s32 $0xFFFFBEE0  }
0x36: {  	[tilespmem:s19], [sflag:$0x2] =	stream.linear.gather [hbm4b:s12+s22], $0x4120, $0x38;
	[tilespmem:$0x15B00] =	vst v63  }
0x37: {  	_ =	swait.ge [sflag:s16], $0x4120  }
0x38: {  	[sflag:s16] =	ssyncset.done $0x0  }
0x39: {  	[sflag:s16] =	ssyncadd.s32 $0xFFFFBEE0  }
0x3a: {  	[tilespmem:s15], [sflag:$0x1] =	stream.indirect.gather [spmem:s2], $0x1, s22, s18, $0xb8;
	[tilespmem:$0x15B00] =	vst v63  }
0x3b: {  	_ =	swait.ge [sflag:s20], $0x4130  }
0x3c: {  	[sflag:s20] =	ssyncset.done $0x0  }
0x3d: {  	s22 =	simm.s32 $0x0;
	[sflag:s20] =	ssyncadd.s32 $0xFFFFBED0  }
0x3e: {  	s23 =	simm.s32 $0x40;
	v2 =	vld [tilespmem:s22+$0x8260]  }
.LBB2_4:
0x3f: {  	p0 =	sne.s32 s23, $0x10480;
	v3 =	vld [tilespmem:s22+$0xC390];
	_ =	sdelay $0x2  }
.Ltmp1:
0x40: {  	(pc) =	sbr.rel @p0 .LBB2_4-.Ltmp1, $4  }
0x41: {  	_ = 	snop  }
0x42: {  	v3 =	vmul.f32 v2, v3  }
0x43: {  	s24 =	sshra.s32 s23, $0x2  }
0x44: {  	s23 =	sadd.s32 $0x40, s23;
	v2 =	vld [tilespmem:s24+$0x8260];
	[tilespmem:s22+$0xC390] =	vst v3;
	s22 =	smov.u32 s24  }
0x45: {  	v3 =	vld [tilespmem:s22+$0xC390];
	_ =	sdelay $0x4  }
0x46: {  	v2 =	vmul.f32 v2, v3;
	_ =	sdelay $0x1  }
0x47: {  	[tilespmem:s22+$0xC390] =	vst v2  }
0x48: {  	[spmem:s3] =	stream.indirect.scatter.add.f32 [tilespmem:s15], [sflag:$0x2], $0x1, s18, s18, $0xb8;
	[tilespmem:$0x15B00] =	vst v63  }
0x49: {  	_ =	swait.ge [sflag:s16], $0x4130  }
0x4a: {  	[sflag:s16] =	ssyncset.done $0x0  }
0x4b: {  	[sflag:s16] =	ssyncadd.s32 $0xFFFFBED0  }
0x4c: {  	[bflag:$0x0] =	sbarrier.arrive $0xFFFF  }
0x4d: {  	[tilespmem:s17], [sflag:$0x2] =	stream.linear.gather [spmem:s9], $0xC80, $0x38;
	[tilespmem:$0x15B00] =	vst v63  }
0x4e: {  	s21 =	sadd.s32 $0x1, s21;
	_ =	swait.ge [sflag:s16], $0xC80  }
0x4f: {  	p0 =	sne.s32 s21, s14;
	[sflag:s16] =	ssyncset.done $0x0  }
.Ltmp2:
0x50: {  	[sflag:s16] =	ssyncadd.s32 $0xFFFFF380;
	(pc) =	sbr.rel @p0 .LBB2_1-.Ltmp2, $4  }
0x51: {  	[hbm4b:s13+s4] =	stream.linear.scatter [tilespmem:s17], [sflag:$0x2], $0xC80, $0x38;
	[tilespmem:$0x15B00] =	vst v63  }
0x52: {  	_ =	swait.ge [sflag:s16], $0xC80  }
0x53: {  	[sflag:s16] =	ssyncset.done $0x0  }
0x54: {  	[sflag:s16] =	ssyncadd.s32 $0xFFFFF380  }
0x55: {  	_ =	sfence.sel $0x180000  }
0x56: {  	[bflag:$0x0] =	sbarrier.arrive $0xFFFF  }
0x57: {  	p0 =	sne.s32 s0, $0x0;
	_ =	strace $0x9000004A  }
0x58: {  	s0 =	sadd.s32 @!p0 $0x100000, s1;
	[bflag:$0x2] =	sbarrier.arrive $0xFFFF  }
0x59: {  	[sflag:s0] =	ssyncadd.tile.s32 @!p0 $0x1;
	_ =	shalt  }
.Lfunc_end2:
_tile_overlayer_lowered:
.L_overlay_start_2:
0x5a: {  	(tag) =	ssettag $0x2  }
0x5b: {  	s0 =	rddreg [dreg:$0x0];
	s2 =	stileid.u32  }
0x5c: {  	s1 =	rddreg [dreg:$0x1];
	p0 =	sne.s32 s2, $0x0  }
0x5d: {  	s3 =	rddreg [dreg:$0x2];
	[bflag:$0x3] =	sbarrier.arrive $0xFFFF;
	s2 =	simm.s32 @!p0 $0x1C02  }
0x5e: {  	[timem:s3], [sflag:s2] =	dma.local @!p0 [hbm:s0], s1  }
0x5f: {  	s0 =	simm.s32 @!p0 $0x2  }
0x60: {  	_ =	swait.ge @!p0 [sflag:s0], s1  }
0x61: {  	s1 =	ssub.s32 @!p0 $0x0, s1;
	[sflag:s0] =	ssyncset.done @!p0 $0x0  }
0x62: {  	[sflag:s0] =	ssyncadd.s32 @!p0 s1  }
0x63: {  	[bflag:$0x3] =	sbarrier.arrive $0xFFFF  }
0x64: {  	_ =	shalt  }

// kernel: kernel.9.cloned.1.call-start
scs
__scs_entry_jumppad:
0x0: {  	(pc) =	sbr.rel $0x88, $3  }
0x1: {  	(tag) =	ssettag $0x0;
	lr =	simm.s32 $0x1  }
0x2: {  	[smem:$0x3F97] =	sst lr;
	_ =	strace $0xD0000000  }
0x3: {  	_ = 	snop  }
0x4: {  	_ = 	snop  }
0x5: {  	_ = 	snop  }
0x6: {  	_ = 	snop  }
0x7: {  	_ = 	snop  }
__scs_overlays_trampoline_lowered:
0x8: {  	[smem:$0x3FA6] =	sst s0  }
0x9: {  	[smem:$0x3FA7] =	sst s1  }
0xa: {  	[smem:$0x3FA8] =	sst s2  }
0xb: {  	[smem:$0x3FA9] =	sst s3  }
0xc: {  	[smem:$0x3FAA] =	sst s4  }
0xd: {  	[smem:$0x3FAB] =	sst s5  }
0xe: {  	[smem:$0x3FAC] =	sst s6  }
0xf: {  	[smem:$0x3FAD] =	sst s7  }
0x10: {  	[smem:$0x3FAE] =	sst s8  }
0x11: {  	[smem:$0x3FAF] =	sst s9;
	s0 =	simm.s32 @!p0 $0x0  }
0x12: {  	s1 =	sld [smem:$0x3F95];
	s0 =	simm.s32 @p0 $0x1  }
0x13: {  	[smem:$0x3FB0] =	sst s0;
	s0 =	simm.s32 @!p1 $0x0  }
0x14: {  	s2 =	sld [smem:$0x3F94];
	s0 =	simm.s32 @p1 $0x1  }
0x15: {  	[smem:$0x3FB1] =	sst s0;
	s0 =	simm.s32 @!p2 $0x0  }
0x16: {  	s3 =	sld [smem:$0x3FDB];
	s0 =	simm.s32 @p2 $0x1  }
0x17: {  	s4 =	simm.s32 $0x1BF5;
	[smem:$0x3FB3] =	sst s0  }
0x18: {  	s0 =	sld [smem:$0x3F96];
	_ =	swait.ge [sflag:s4], $0x0  }
0x19: {  	s7 =	sld [smem:$0x3F97]  }
0x1a: {  	s8 =	sadd.s32 $0xFFFFE003, lr  }
0x1b: {  	s9 =	sadd.s32 $0xFFFFFEF7, lr;
	s5 =	simm.s32 $0xFFFFFFFF;
	p2 =	slt.u32 s8, $0xFFFFF086  }
0x1c: {  	p1 =	slt.u32 s9, $0xF7A;
	s5 =	simm.s32 @!p2 $0x0  }
0x1d: {  	s5 =	simm.s32 @p1 $0x1;
	p0 =	seq.s32 s7, s2  }
0x1e: {  	s7 =	smul.u32 @!p0 $0xF7A, s2;
	p2 =	seq.s32 @!p0 s5, $0x0  }
0x1f: {  	s9 =	smul.u32 $0xF7A, s1;
	s8 =	simm.s32 @!p0 $0x1BF5;
	p2 =	por !p2, p0  }
0x20: {  	[sflag:s8] =	ssyncset.s32 @!p0 $0xFFFFF086;
	s6 =	sadd.s32 @!p0 s3, s7;
	s7 =	simm.s32 @!p0 $0x108  }
0x21: {  	s3 =	sadd.s32 s3, s9;
	s6 =	sadd.s32 @!p0 $0x88, s6;
	s7 =	simm.s32 @p2 $0x1082  }
0x22: {  	[simem:s7], [sflag:s8] =	dma.local @!p0 [hbm:s6], $0xF7A  }
0x23: {  	s9 =	sor.u32 $0xD0000000, s2;
	s6 =	simm.s32 $0x108;
	_ =	swait.ge @!p0 [sflag:s8], $0x0  }
0x24: {  	s3 =	sadd.s32 $0x88, s3;
	s6 =	simm.s32 @!p1 $0x1082;
	[sflag:s4] =	ssyncset.s32 $0xFFFFF086  }
0x25: {  	[simem:s6], [sflag:s4] =	dma.local [hbm:s3], $0xF7A  }
0x26: {  	[smem:$0x3F97] =	sst s1;
	(tag) =	ssettag s2;
	_ =	strace s9  }
0x27: {  	s1 =	sld [smem:$0x3FA7]  }
0x28: {  	s2 =	sld [smem:$0x3FA8]  }
0x29: {  	s4 =	sld [smem:$0x3FAA]  }
0x2a: {  	p0 =	seq.s32 s5, $0x0;
	s5 =	sld [smem:$0x3FAB]  }
0x2b: {  	s6 =	sld [smem:$0x3FAC]  }
0x2c: {  	s7 =	sld [smem:$0x3FAD]  }
0x2d: {  	s3 =	simm.s32 $0x108;
	s8 =	sld [smem:$0x3FAE]  }
0x2e: {  	s3 =	simm.s32 @!p0 $0x1082;
	s9 =	sld [smem:$0x3FAF]  }
0x2f: {  	lr =	sadd.s32 s0, s3;
	s0 =	sld [smem:$0x3FA6]  }
0x30: {  	s3 =	sld [smem:$0x3FA9]  }
0x31: {  	[smem:$0x3FB2] =	sst s10  }
0x32: {  	s10 =	sld [smem:$0x3FB0];
	_ =	sdelay $0x3  }
0x33: {  	p0 =	seq.s32 s10, $0x1;
	s10 =	sld [smem:$0x3FB2];
	_ =	sdelay $0x3  }
0x34: {  	[smem:$0x3FB2] =	sst s10  }
0x35: {  	s10 =	sld [smem:$0x3FB1];
	_ =	sdelay $0x3  }
0x36: {  	p1 =	seq.s32 s10, $0x1;
	s10 =	sld [smem:$0x3FB2];
	_ =	sdelay $0x3  }
0x37: {  	[smem:$0x3FB2] =	sst s10  }
0x38: {  	s10 =	sld [smem:$0x3FB3]  }
0x39: {  	_ = 	snop;
	(pc) =	sbr.ind lr, $3  }
0x3a: {  	_ = 	snop  }
0x3b: {  	_ = 	snop  }
0x3c: {  	p2 =	seq.s32 s10, $0x1;
	s10 =	sld [smem:$0x3FB2]  }
0x3d: {  	_ =	shalt  }
0x3e: {  	_ =	shalt  }
0x3f: {  	_ =	shalt  }
0x40: {  	_ =	shalt  }
0x41: {  	_ =	shalt  }
0x42: {  	_ =	shalt  }
0x43: {  	_ =	shalt  }
0x44: {  	_ =	shalt  }
0x45: {  	_ =	shalt  }
0x46: {  	_ =	shalt  }
0x47: {  	_ =	shalt  }
0x48: {  	_ =	shalt  }
0x49: {  	_ =	shalt  }
0x4a: {  	_ =	shalt  }
0x4b: {  	_ =	shalt  }
0x4c: {  	_ =	shalt  }
0x4d: {  	_ =	shalt  }
0x4e: {  	_ =	shalt  }
0x4f: {  	_ =	shalt  }
0x50: {  	_ =	shalt  }
0x51: {  	_ =	shalt  }
0x52: {  	_ =	shalt  }
0x53: {  	_ =	shalt  }
0x54: {  	_ =	shalt  }
0x55: {  	_ =	shalt  }
0x56: {  	_ =	shalt  }
0x57: {  	_ =	shalt  }
0x58: {  	_ =	shalt  }
0x59: {  	_ =	shalt  }
0x5a: {  	_ =	shalt  }
0x5b: {  	_ =	shalt  }
0x5c: {  	_ =	shalt  }
0x5d: {  	_ =	shalt  }
0x5e: {  	_ =	shalt  }
0x5f: {  	_ =	shalt  }
0x60: {  	_ =	shalt  }
0x61: {  	_ =	shalt  }
0x62: {  	_ =	shalt  }
0x63: {  	_ =	shalt  }
0x64: {  	_ =	shalt  }
0x65: {  	_ =	shalt  }
0x66: {  	_ =	shalt  }
0x67: {  	_ =	shalt  }
0x68: {  	_ =	shalt  }
0x69: {  	_ =	shalt  }
0x6a: {  	_ =	shalt  }
0x6b: {  	_ =	shalt  }
0x6c: {  	_ =	shalt  }
0x6d: {  	_ =	shalt  }
0x6e: {  	_ =	shalt  }
0x6f: {  	_ =	shalt  }
0x70: {  	_ =	shalt  }
0x71: {  	_ =	shalt  }
0x72: {  	_ =	shalt  }
0x73: {  	_ =	shalt  }
0x74: {  	_ =	shalt  }
0x75: {  	_ =	shalt  }
0x76: {  	_ =	shalt  }
0x77: {  	_ =	shalt  }
0x78: {  	_ =	shalt  }
0x79: {  	_ =	shalt  }
0x7a: {  	_ =	shalt  }
0x7b: {  	_ =	shalt  }
0x7c: {  	_ =	shalt  }
0x7d: {  	_ =	shalt  }
0x7e: {  	_ =	shalt  }
0x7f: {  	_ =	shalt  }
0x80: {  	_ =	shalt  }
0x81: {  	_ =	shalt  }
0x82: {  	_ =	shalt  }
0x83: {  	_ =	shalt  }
0x84: {  	_ =	shalt  }
0x85: {  	_ =	shalt  }
0x86: {  	_ =	shalt  }
0x87: {  	_ =	shalt  }
.Lfunc_end0:
.L_simem_size_0:
called_computation.1_lowered:
.L_overlay_start_0:
0x88: {  	s2 =	sld [smem:$0x3FD9]  }
0x89: {  	s3 =	sld [smem:$0x3FFE];
	_ =	sdelay $0x1  }
0x8a: {  	s1 =	srdreg.scid  }
0x8b: {  	s0 =	sand.u32 $0x1, s1  }
0x8c: {  	s16 =	sshll.u32 s0, $0xA;
	s2 =	sadd.s32 s3, s2  }
0x8d: {  	s2 =	sadd.s32 s2, s16  }
0x8e: {  	[smem:$0x3FBE] =	sst s2  }
0x8f: {  	_ = 	snop  }
0x90: {  	(tm) =	ssettm $0x1  }
0x91: {  	s17 =	sld [smem:$0x3FFB];
	_ =	sdelay $0x3  }
0x92: {  	_ =	strace s17  }
0x93: {  	s2 =	sld [smem:$0x3FFC];
	_ =	sdelay $0x3  }
0x94: {  	_ =	strace s2  }
0x95: {  	s2 =	sld [smem:$0x3FFD];
	_ =	sdelay $0x3  }
0x96: {  	_ =	strace s2  }
0x97: {  	_ =	strace $0x8FFFFFFF  }
0x98: {  	s18 =	sld [smem:$0x3FDB];
	_ =	sdelay $0x1  }
0x99: {  	s19 =	simm.s32 $_scs_section_size  }
0x9a: {  	s4 =	simm.s32 $_size__tile_overlayer_lowered;
	s5 =	simm.s32 $_tile_overlayer_lowered  }
0x9b: {  	s22 =	simm.s32 $0x1BFF;
	s21 =	sshll.u32 s5, $0x1;
	s2 =	sadd.s32 s19, s18  }
0x9c: {  	s6 =	simm.s32 $0x0;
	s20 =	sshll.u32 s4, $0x1;
	s4 =	sadd.s32 s21, s2  }
0x9d: {  	[timem:s6], [sflag:s22] =	dma.local [hbm:s4], s20  }
0x9e: {  	_ =	swait.ge [sflag:s22], s20  }
0x9f: {  	s3 =	ssub.s32 $0x0, s20;
	[sflag:s22] =	ssyncset.done $0x0  }
0xa0: {  	[sflag:s22] =	ssyncadd.s32 s3;
	_ =	sdelay $0x1  }
0xa1: {  	s23 =	simm.s32 $0x1B8B  }
0xa2: {  	_ =	swait.ge [sflag:s23], $0x1  }
0xa3: {  	[sflag:s23] =	ssyncset.done $0x0  }
0xa4: {  	s25 =	simm.s32 $0x1B8E;
	s24 =	sld [smem:$0x3FFE];
	[sflag:s23] =	ssyncadd.s32 $0xFFFFFFFF  }
0xa5: {  	s26 =	simm.s32 $execute0_lowered;
	[smem:$0x3FD2] =	sst s25  }
0xa6: {  	s4 =	sshll.u32 s26, $0x1;
	_ =	strace $0x80000046;
	[dreg:$0x1] =	wrdreg $0xFFFFFFFF  }
0xa7: {  	s28 =	simm.s32 $_size_execute0_lowered;
	s2 =	sadd.s32 s2, s4;
	[dreg:$0x0] =	wrdreg $0x0  }
0xa8: {  	s4 =	sshll.u32 s28, $0x1;
	[dreg:$0x2] =	wrdreg s2  }
0xa9: {  	[dreg:$0x3] =	wrdreg s4  }
0xaa: {  	[dreg:$0x4] =	wrdreg $0xC0  }
0xab: {  	_ =	task [dreg:s6], $0x5FFFF  }
0xac: {  	[dreg:$0x1] =	wrdreg $0xFFFFFFFF  }
0xad: {  	[dreg:$0x0] =	wrdreg $0x60  }
0xae: {  	[dreg:$0x2] =	wrdreg s24  }
0xaf: {  	[dreg:$0x3] =	wrdreg $0x111400  }
0xb0: {  	[dreg:$0x4] =	wrdreg $0x14E800  }
0xb1: {  	[dreg:$0x5] =	wrdreg $0xA  }
0xb2: {  	_ =	task.clear_ibuf [dreg:s6], $0x6FFFF;
	_ =	strace $0x90000046  }
0xb3: {  	s29 =	simm.s32 $0xA;
	_ =	strace $0x80000048  }
0xb4: {  	_ =	swait.ge [sflag:s29], $0x1  }
0xb5: {  	[sflag:s29] =	ssyncadd.s32 $0xFFFFFFFF  }
0xb6: {  	_ =	strace $0x90000048  }
0xb7: {  	_ =	sfence  }
0xb8: {  	s30 =	sld [smem:$0x0];
	_ =	sdelay $0x2  }
0xb9: {  	s31 =	sshll.u32 s1, $0xD;
	s1 =	sshrl.u32 s1, $0x2  }
0xba: {  	s3 =	sand.u32 $0x4000, s31;
	s1 =	sadd.s32 s1, s30  }
0xbb: {  	s0 =	sor.u32 s3, s0;
	s1 =	sshll.u32 s1, $0x11  }
0xbc: {  	s0 =	sor.u32 s1, s0  }
0xbd: {  	s0 =	sadd.s32 $0x8F2B, s0  }
0xbe: {  	[sflag:s0] =	ssyncadd.remote.s32 $0x1  }
0xbf: {  	_ =	sfence.sel $0xFFFF  }
0xc0: {  	[dreg:$0x0] =	wrdreg $0xFFFFFFFF;
	(pc) =	sbr.abs _section_cstart, $3  }
0xc1: {  	[dreg:$0x1] =	wrdreg $0xFFFFFFFF  }
0xc2: {  	_ =	task.clear_ibuf [dreg:s6], $0x2FFFF;
	_ =	strace $0x9FFFFFFF  }
0xc3: {  	(tm) =	ssettm $0x7FFFFFFF  }
tec
execute0_lowered:
.L_overlay_start_1:
0x0: {  	(tag) =	ssettag $0x1  }
0x1: {  	s6 =	rddreg [dreg:$0x0]  }
0x2: {  	s1 =	srdreg.scid;
	s2 =	rddreg [dreg:$0x1]  }
0x3: {  	s0 =	stileid.u32;
	s3 =	rddreg [dreg:$0x2]  }
0x4: {  	s4 =	simm.s32 $0x0;
	s15 =	simm.s32 $0xC390;
	s16 =	simm.s32 $0x2  }
0x5: {  	s17 =	simm.s32 $0x104C0;
	s18 =	simm.s32 $0x4130;
	s19 =	simm.s32 $0x8260  }
0x6: {  	s20 =	simm.s32 $0x1;
	s21 =	simm.s32 $0x0;
	s9 =	smul.u32 $0xC80, s0  }
0x7: {  	s5 =	sand.u32 $0x1, s1;
	s25 =	sshll.u32 s0, $0x1;
	s28 =	smul.u32 $0x3D40, s0  }
0x8: {  	[smem:$0x7FF] =	sst s4;
	s1 =	sor.u32 s5, s25;
	s8 =	smul.u32 $0xC800, s5  }
0x9: {  	s10 =	sadd.s32 $0x63E00, s6;
	s5 =	ssub.s32 $0x2, s5;
	s7 =	smul.u32 $0x824, s1  }
0xa: {  	s1 =	rddreg [dreg:$0x3];
	_ =	strace $0x80000047;
	s29 =	sshrl.u32 s5, $0x1  }
0xb: {  	s30 =	sshrl.u32 s28, $0x3;
	s11 =	sadd.s32 $0x1EA0, s28;
	s26 =	sadd.s32 s9, s8  }
0xc: {  	s14 =	ssub.s32 s5, s29;
	s5 =	sadd.s32 s10, s30;
	s31 =	sshrl.u32 s11, $0x3  }
0xd: {  	s8 =	sadd.s32 s11, s2;
	s12 =	sadd.s32 s7, s6;
	s7 =	sshrl.u32 s26, $0x3  }
0xe: {  	s9 =	sadd.s32 s9, s3;
	s14 =	smax.u32 s14, $0x1;
	s13 =	sadd.s32 s7, s6  }
0xf: {  	s6 =	sadd.s32 s28, s2;
	s7 =	sadd.s32 s10, s31;
	s10 =	sadd.s32 $0x12000, s12  }
0x10: {  	v0 =	vimm.f32 $0.0e+00;
	v1 =	vimm.s32 $0x0;
	s11 =	sadd.s32 $0x1A00, s12;
	s12 =	sadd.s32 $0x43200, s12;
	s13 =	sadd.s32 $0x6BA00, s13  }
.LBB2_1:
0x11: {  	[tilespmem:s15], [sflag:$0x2] =	stream.linear.gather [hbm4b:s5+s4], $0x1EA0, $0x38;
	[tilespmem:$0x15B00] =	vst v63  }
0x12: {  	_ =	swait.ge [sflag:s16], $0x1EA0  }
0x13: {  	[sflag:s16] =	ssyncset.done $0x0  }
0x14: {  	[sflag:s16] =	ssyncadd.s32 $0xFFFFE160  }
0x15: {  	[spmem:s6] =	stream.linear.scatter [tilespmem:s15], [sflag:$0x2], $0x1EA0, $0x38;
	[tilespmem:$0x15B00] =	vst v63  }
0x16: {  	_ =	swait.ge [sflag:s16], $0x1EA0  }
0x17: {  	[sflag:s16] =	ssyncset.done $0x0  }
0x18: {  	[sflag:s16] =	ssyncadd.s32 $0xFFFFE160  }
0x19: {  	[tilespmem:s15], [sflag:$0x2] =	stream.linear.gather [hbm4b:s7+s4], $0x1EA0, $0x38;
	[tilespmem:$0x15B00] =	vst v63  }
0x1a: {  	_ =	swait.ge [sflag:s16], $0x1EA0  }
0x1b: {  	[sflag:s16] =	ssyncset.done $0x0  }
0x1c: {  	[sflag:s16] =	ssyncadd.s32 $0xFFFFE160  }
0x1d: {  	[spmem:s8] =	stream.linear.scatter [tilespmem:s15], [sflag:$0x2], $0x1EA0, $0x38;
	[tilespmem:$0x15B00] =	vst v63  }
0x1e: {  	_ =	swait.ge [sflag:s16], $0x1EA0  }
0x1f: {  	[sflag:s16] =	ssyncset.done $0x0  }
0x20: {  	s22 =	simm.s32 $0x40;
	s23 =	simm.s32 $0x0;
	[sflag:s16] =	ssyncadd.s32 $0xFFFFE160  }
.LBB2_2:
0x21: {  	p0 =	sne.s32 s22, $0x31C0;
	[tilespmem:s23+$0x104C0] =	vst v0;
	s23 =	smov.u32 s22;
	s22 =	sadd.s32 $0x40, s22  }
.Ltmp0:
0x22: {  	(pc) =	sbr.rel @p0 .LBB2_2-.Ltmp0, $2  }
0x23: {  	_ =	sdelay $0x2  }
0x24: {  	s23 =	sshra.s32 s23, $0x2  }
0x25: {  	[tilespmem:s23+$0x104C0] =	vst v0  }
0x26: {  	[spmem:s9] =	stream.linear.scatter [tilespmem:s17], [sflag:$0x2], $0xC80, $0x38;
	[tilespmem:$0x15B00] =	vst v63  }
0x27: {  	_ =	swait.ge [sflag:s16], $0xC80  }
0x28: {  	[sflag:s16] =	ssyncset.done $0x0  }
0x29: {  	[sflag:s16] =	ssyncadd.s32 $0xFFFFF380  }
0x2a: {  	[tilespmem:$0x4120] =	vst v1  }
0x2b: {  	[tilespmem:$0x8250] =	vst v1  }
0x2c: {  	[tilespmem:$0xC380] =	vst v0  }
0x2d: {  	s22 =	simm.s32 $0x0;
	[bflag:$0x0] =	sbarrier.arrive $0xFFFF  }
0x2e: {  	[tilespmem:s22], [sflag:$0x2] =	stream.linear.gather [hbm4b:s10+s22], $0x4120, $0x38;
	[tilespmem:$0x15B00] =	vst v63  }
0x2f: {  	_ =	swait.ge [sflag:s16], $0x4120  }
0x30: {  	[sflag:s16] =	ssyncset.done $0x0  }
0x31: {  	[sflag:s16] =	ssyncadd.s32 $0xFFFFBEE0  }
0x32: {  	[tilespmem:s18], [sflag:$0x2] =	stream.linear.gather [hbm4b:s11+s22], $0x4120, $0x38;
	[tilespmem:$0x15B00] =	vst v63  }
0x33: {  	_ =	swait.ge [sflag:s16], $0x4120  }
0x34: {  	[sflag:s16] =	ssyncset.done $0x0  }
0x35: {  	[sflag:s16] =	ssyncadd.s32 $0xFFFFBEE0  }
0x36: {  	[tilespmem:s19], [sflag:$0x2] =	stream.linear.gather [hbm4b:s12+s22], $0x4120, $0x38;
	[tilespmem:$0x15B00] =	vst v63  }
0x37: {  	_ =	swait.ge [sflag:s16], $0x4120  }
0x38: {  	[sflag:s16] =	ssyncset.done $0x0  }
0x39: {  	[sflag:s16] =	ssyncadd.s32 $0xFFFFBEE0  }
0x3a: {  	[tilespmem:s15], [sflag:$0x1] =	stream.indirect.gather [spmem:s2], $0x1, s22, s18, $0xb8;
	[tilespmem:$0x15B00] =	vst v63  }
0x3b: {  	_ =	swait.ge [sflag:s20], $0x4130  }
0x3c: {  	[sflag:s20] =	ssyncset.done $0x0  }
0x3d: {  	s22 =	simm.s32 $0x0;
	[sflag:s20] =	ssyncadd.s32 $0xFFFFBED0  }
0x3e: {  	s23 =	simm.s32 $0x40;
	v2 =	vld [tilespmem:s22+$0x8260]  }
.LBB2_4:
0x3f: {  	p0 =	sne.s32 s23, $0x10480;
	v3 =	vld [tilespmem:s22+$0xC390];
	_ =	sdelay $0x2  }
.Ltmp1:
0x40: {  	(pc) =	sbr.rel @p0 .LBB2_4-.Ltmp1, $4  }
0x41: {  	_ = 	snop  }
0x42: {  	v3 =	vmul.f32 v2, v3  }
0x43: {  	s24 =	sshra.s32 s23, $0x2  }
0x44: {  	s23 =	sadd.s32 $0x40, s23;
	v2 =	vld [tilespmem:s24+$0x8260];
	[tilespmem:s22+$0xC390] =	vst v3;
	s22 =	smov.u32 s24  }
0x45: {  	v3 =	vld [tilespmem:s22+$0xC390];
	_ =	sdelay $0x4  }
0x46: {  	v2 =	vmul.f32 v2, v3;
	_ =	sdelay $0x1  }
0x47: {  	[tilespmem:s22+$0xC390] =	vst v2  }
0x48: {  	[spmem:s3] =	stream.indirect.scatter.add.f32 [tilespmem:s15], [sflag:$0x2], $0x1, s18, s18, $0xb8;
	[tilespmem:$0x15B00] =	vst v63  }
0x49: {  	_ =	swait.ge [sflag:s16], $0x4130  }
0x4a: {  	[sflag:s16] =	ssyncset.done $0x0  }
0x4b: {  	[sflag:s16] =	ssyncadd.s32 $0xFFFFBED0  }
0x4c: {  	[bflag:$0x0] =	sbarrier.arrive $0xFFFF  }
0x4d: {  	[tilespmem:s17], [sflag:$0x2] =	stream.linear.gather [spmem:s9], $0xC80, $0x38;
	[tilespmem:$0x15B00] =	vst v63  }
0x4e: {  	s21 =	sadd.s32 $0x1, s21;
	_ =	swait.ge [sflag:s16], $0xC80  }
0x4f: {  	p0 =	sne.s32 s21, s14;
	[sflag:s16] =	ssyncset.done $0x0  }
.Ltmp2:
0x50: {  	[sflag:s16] =	ssyncadd.s32 $0xFFFFF380;
	(pc) =	sbr.rel @p0 .LBB2_1-.Ltmp2, $4  }
0x51: {  	[hbm4b:s13+s4] =	stream.linear.scatter [tilespmem:s17], [sflag:$0x2], $0xC80, $0x38;
	[tilespmem:$0x15B00] =	vst v63  }
0x52: {  	_ =	swait.ge [sflag:s16], $0xC80  }
0x53: {  	[sflag:s16] =	ssyncset.done $0x0  }
0x54: {  	[sflag:s16] =	ssyncadd.s32 $0xFFFFF380  }
0x55: {  	_ =	sfence.sel $0x180000  }
0x56: {  	[bflag:$0x0] =	sbarrier.arrive $0xFFFF  }
0x57: {  	p0 =	sne.s32 s0, $0x0;
	_ =	strace $0x90000047  }
0x58: {  	s0 =	sadd.s32 @!p0 $0x100000, s1;
	[bflag:$0x2] =	sbarrier.arrive $0xFFFF  }
0x59: {  	[sflag:s0] =	ssyncadd.tile.s32 @!p0 $0x1;
	_ =	shalt  }
.Lfunc_end2:
_tile_overlayer_lowered:
.L_overlay_start_2:
0x5a: {  	(tag) =	ssettag $0x2  }
0x5b: {  	s0 =	rddreg [dreg:$0x0];
	s2 =	stileid.u32  }
0x5c: {  	s1 =	rddreg [dreg:$0x1];
	p0 =	sne.s32 s2, $0x0  }
0x5d: {  	s3 =	rddreg [dreg:$0x2];
	[bflag:$0x3] =	sbarrier.arrive $0xFFFF;
	s2 =	simm.s32 @!p0 $0x1C02  }
0x5e: {  	[timem:s3], [sflag:s2] =	dma.local @!p0 [hbm:s0], s1  }
0x5f: {  	s0 =	simm.s32 @!p0 $0x2  }
0x60: {  	_ =	swait.ge @!p0 [sflag:s0], s1  }
0x61: {  	s1 =	ssub.s32 @!p0 $0x0, s1;
	[sflag:s0] =	ssyncset.done @!p0 $0x0  }
0x62: {  	[sflag:s0] =	ssyncadd.s32 @!p0 s1  }
0x63: {  	[bflag:$0x3] =	sbarrier.arrive $0xFFFF  }
0x64: {  	_ =	shalt  }

</sc_bundles>
